<compile_context>
chip_gen: v7x
topology: tpu7x:2x2x1
jax: 0.10.2.dev20260603
libtpu: 0.0.44.dev20260713+nightly
codegen_flags: <defaults>
</compile_context>

<pallas_src>
import jax
import jax.numpy as jnp
from jax import lax
from jax.experimental import pallas as pl
from jax.experimental.pallas import tpu as pltpu
from jax.experimental.pallas import tpu_sc as plsc

N = 10000
E = 320000
D = 128

NC = 2
NT = 16
NW = NC * NT
CW = 128
CPT = 80
EP = NW * CPT * CW
NP = 10240
RPT = NP // NT
BLK = 512

_MESH = plsc.VectorSubcoreMesh(core_axis_name="c", subcore_axis_name="s")


def _segsum_body(tab, srcr, dstr, zrows, acc_o, idx_s, idx_d, rows, acc_sh, sem):
    cc = lax.axis_index("c")
    ss = lax.axis_index("s")
    wid = ss * NC + cc
    pltpu.sync_copy(zrows, acc_sh.at[pl.ds(ss * RPT, RPT)])
    pltpu.sync_copy(srcr.at[pl.ds(wid * CPT, CPT)], idx_s)
    pltpu.sync_copy(dstr.at[pl.ds(wid * CPT, CPT)], idx_d)
    plsc.subcore_barrier()

    def chunk(j, carry):
        pltpu.async_copy(tab.at[idx_s.at[j]], rows, sem).wait()
        pltpu.sync_copy(rows, acc_sh.at[idx_d.at[j]], add=True)
        return carry

    lax.fori_loop(0, CPT, chunk, 0)
    plsc.subcore_barrier()
    base = cc * NP + ss * RPT
    pltpu.sync_copy(acc_sh.at[pl.ds(ss * RPT, RPT)], acc_o.at[pl.ds(base, RPT)])


def _make_segsum():
    return pl.kernel(
        _segsum_body,
        out_type=jax.ShapeDtypeStruct((2 * NP, D), jnp.float32),
        mesh=_MESH,
        scratch_types=[
            pltpu.VMEM((CPT, CW), jnp.int32),
            pltpu.VMEM((CPT, CW), jnp.int32),
            pltpu.VMEM((CW, D), jnp.float32),
            pltpu.VMEM_SHARED((NP, D), jnp.float32),
            pltpu.SemaphoreType.DMA,
        ],
    )


def _mm_t(a, w):
    return lax.dot_general(a, w, (((1,), (1,)), ((), ())),
                           preferred_element_type=jnp.float32)


def _mean(a0, a1, c0, c1):
    cnt = jnp.maximum(c0[...][:, :1] + c1[...][:, :1], 1.0)
    return (a0[...] + a1[...]) / cnt


def _layer1_body(x_ref, a0, a1, c0, c1, wl, bl, wr, h_ref):
    mean = _mean(a0, a1, c0, c1)
    h_ref[...] = jnp.maximum(
        _mm_t(mean, wl[...]) + bl[...] + _mm_t(x_ref[...], wr[...]), 0.0)


def _layer2_body(h_ref, a0, a1, c0, c1, wl, bl, wr, wlin, blin, o_ref):
    mean = _mean(a0, a1, c0, c1)
    h2 = jnp.maximum(
        _mm_t(mean, wl[...]) + bl[...] + _mm_t(h_ref[...], wr[...]), 0.0)
    o_ref[...] = _mm_t(h2, wlin[...]) + blin[0, 0]


_NPB = NP // BLK


def _row_spec(i):
    return (i, 0)


def _row_spec_hi(i):
    return (i + _NPB, 0)


def _fixed(i):
    return (0, 0)


def _layer1_call(xp, aggs, cnts, Wl1, bl1, Wr1):
    return pl.pallas_call(
        _layer1_body,
        grid=(_NPB,),
        in_specs=[
            pl.BlockSpec((BLK, D), _row_spec),
            pl.BlockSpec((BLK, D), _row_spec),
            pl.BlockSpec((BLK, D), _row_spec_hi),
            pl.BlockSpec((BLK, D), _row_spec),
            pl.BlockSpec((BLK, D), _row_spec_hi),
            pl.BlockSpec((D, D), _fixed),
            pl.BlockSpec((1, D), _fixed),
            pl.BlockSpec((D, D), _fixed),
        ],
        out_specs=pl.BlockSpec((BLK, D), _row_spec),
        out_shape=jax.ShapeDtypeStruct((NP, D), jnp.float32),
    )(xp, aggs, aggs, cnts, cnts, Wl1, bl1.reshape(1, D), Wr1)


def _layer2_call(h, aggs, cnts, Wl2, bl2, Wr2, Wlin, blin):
    return pl.pallas_call(
        _layer2_body,
        grid=(_NPB,),
        in_specs=[
            pl.BlockSpec((BLK, D), _row_spec),
            pl.BlockSpec((BLK, D), _row_spec),
            pl.BlockSpec((BLK, D), _row_spec_hi),
            pl.BlockSpec((BLK, D), _row_spec),
            pl.BlockSpec((BLK, D), _row_spec_hi),
            pl.BlockSpec((D, D), _fixed),
            pl.BlockSpec((1, D), _fixed),
            pl.BlockSpec((D, D), _fixed),
            pl.BlockSpec((8, D), _fixed),
            pl.BlockSpec((1, 1), _fixed),
        ],
        out_specs=pl.BlockSpec((BLK, 8), _row_spec),
        out_shape=jax.ShapeDtypeStruct((NP, 8), jnp.float32),
    )(h, aggs, aggs, cnts, cnts, Wl2, bl2.reshape(1, D), Wr2,
      jnp.zeros((8, D), jnp.float32).at[0].set(Wlin[0]), blin.reshape(1, 1))


def kernel(x, edge_index, Wl1, bl1, Wr1, Wl2, bl2, Wr2, Wlin, blin):
    src = edge_index[0]
    dst = edge_index[1]
    pad = EP - E
    src_p = jnp.concatenate([src, jnp.zeros((pad,), jnp.int32)]).reshape(EP // CW, CW)
    dst_p = jnp.concatenate([dst, jnp.full((pad,), N, jnp.int32)]).reshape(EP // CW, CW)
    xp = jnp.zeros((NP, D), jnp.float32).at[:N].set(x)

    zrows = jnp.zeros((RPT, D), jnp.float32)

    cnts = _make_segsum()(jnp.ones((8, D), jnp.float32), src_p * 0, dst_p, zrows)
    aggs1 = _make_segsum()(x, src_p, dst_p, zrows)
    h = _layer1_call(xp, aggs1, cnts, Wl1, bl1, Wr1)
    aggs2 = _make_segsum()(h, src_p, dst_p, zrows)
    out = _layer2_call(h, aggs2, cnts, Wl2, bl2, Wr2, Wlin, blin)
    return out[:N, 0]

# --- scband reference (transcript-rebuilt; emitter-appended) ---
"""Pipeline reference for scband-gnnregressor-77171972374887 (READ-ONLY COPY).

The authoritative reference and input builder live on the scoring server;
editing this copy changes nothing except your own understanding.
"""

import jax, jax.numpy as jnp
import numpy as np

N = 10000
E = 320000
D = 128


def setup_inputs(seed: int = 0) -> dict:
    key = jax.random.key(seed)
    ks = jax.random.split(key, 12)
    x = jax.random.normal(ks[0], (N, D), dtype=jnp.float32)
    edge_index = jax.random.randint(ks[1], (2, E), 0, N, dtype=jnp.int32)
    s = 1.0 / np.sqrt(D)
    Wl1 = jax.random.uniform(ks[2], (D, D), jnp.float32, -s, s)
    bl1 = jax.random.uniform(ks[3], (D,), jnp.float32, -s, s)
    Wr1 = jax.random.uniform(ks[4], (D, D), jnp.float32, -s, s)
    Wl2 = jax.random.uniform(ks[5], (D, D), jnp.float32, -s, s)
    bl2 = jax.random.uniform(ks[6], (D,), jnp.float32, -s, s)
    Wr2 = jax.random.uniform(ks[7], (D, D), jnp.float32, -s, s)
    Wlin = jax.random.uniform(ks[8], (1, D), jnp.float32, -s, s)
    blin = jax.random.uniform(ks[9], (1,), jnp.float32, -s, s)
    return {"x": x, "edge_index": edge_index, "Wl1": Wl1, "bl1": bl1, "Wr1": Wr1,
            "Wl2": Wl2, "bl2": bl2, "Wr2": Wr2, "Wlin": Wlin, "blin": blin}


def _sage_conv(x, edge_index, Wl, bl, Wr):
    # PyG SAGEConv (aggr='mean'): out = lin_l(mean_j x_j) + lin_r(x_i)
    src = edge_index[0]
    dst = edge_index[1]
    msg = jnp.take(x, src, axis=0)                      # gather from source nodes
    summed = jax.ops.segment_sum(msg, dst, num_segments=N)  # scatter-add to dst
    cnt = jax.ops.segment_sum(jnp.ones((E,), dtype=x.dtype), dst, num_segments=N)
    mean = summed / jnp.clip(cnt, 1.0)[:, None]
    return mean @ Wl.T + bl + x @ Wr.T


def reference(x, edge_index, Wl1, bl1, Wr1, Wl2, bl2, Wr2, Wlin, blin):
    h = jax.nn.relu(_sage_conv(x, edge_index, Wl1, bl1, Wr1))
    h = jax.nn.relu(_sage_conv(h, edge_index, Wl2, bl2, Wr2))
    out = h @ Wlin.T + blin
    return out.squeeze(-1)

if __name__ == "__main__":
    import jax
    _d = setup_inputs()
    print(jax.jit(kernel)(*tuple(_d.values())))

</pallas_src>

<mosaic_0001>
#map = affine_map<(d0, d1) -> (0, 0)>
module attributes {stable_mosaic.version = 14 : i64} {
  func.func @_segsum_body(%arg0: i32, %arg1: i32, %arg2: memref<10240x128xf32, #tpu.memory_space<hbm>>, %arg3: memref<2560x128xi32, #tpu.memory_space<hbm>>, %arg4: memref<2560x128xi32, #tpu.memory_space<hbm>>, %arg5: memref<640x128xf32, #tpu.memory_space<hbm>>, %arg6: memref<20480x128xf32, #tpu.memory_space<hbm>>, %arg7: memref<80x128xi32, #tpu.memory_space<vmem>>, %arg8: memref<80x128xi32, #tpu.memory_space<vmem>>, %arg9: memref<128x128xf32, #tpu.memory_space<vmem>>, %arg10: memref<10240x128xf32, #tpu.memory_space<vmem_shared>>, %arg11: memref<!tpu.dma_semaphore, #tpu.memory_space<semaphore_mem>>) attributes {dimension_semantics = [#tpu.dimension_semantics<core_parallel>, #tpu.dimension_semantics<subcore_parallel>], iteration_bounds = array<i64: 2, 16>, scalar_prefetch = 0 : i64, scratch_operands = 5 : i64, tpu.core_type = #tpu.core_type<sc_vector_subcore>, window_params = [{transform_indices = #map}, {transform_indices = #map}, {transform_indices = #map}, {transform_indices = #map}, {transform_indices = #map}]} {
    %mul3A = arith.constant 2 : i32
    %mul3A_0 = arith.muli %arg1, %mul3A : i32
    %add3A = arith.addi %mul3A_0, %arg0 : i32
    %mul3A_1 = arith.constant 640 : i32
    %mul3A_2 = arith.muli %arg1, %mul3A_1 : i32
    "tpu.region"() ({
      %run_scoped3A = tpu.sem_alloc : memref<!tpu.dma_semaphore, #tpu.memory_space<semaphore_mem>>
      %dma_start3A = arith.constant 0 : i32
      %dma_start3A_20 = tpu.memref_slice %arg10[%mul3A_2, %dma_start3A] : memref<10240x128xf32, #tpu.memory_space<vmem_shared>> -> memref<640x128xf32, #tpu.memory_space<vmem_shared>>
      tpu.enqueue_dma source(%arg5 : memref<640x128xf32, #tpu.memory_space<hbm>>) target(%dma_start3A_20 : memref<640x128xf32, #tpu.memory_space<vmem_shared>>) target_semaphore(%run_scoped3A : memref<!tpu.dma_semaphore, #tpu.memory_space<semaphore_mem>>)
      %dma_wait3A = arith.constant 0 : i32
      %dma_wait3A_21 = tpu.memref_slice %arg10[%mul3A_2, %dma_wait3A] : memref<10240x128xf32, #tpu.memory_space<vmem_shared>> -> memref<640x128xf32, #tpu.memory_space<vmem_shared>>
      tpu.wait_dma2 semaphore(%run_scoped3A : memref<!tpu.dma_semaphore, #tpu.memory_space<semaphore_mem>>) src(%arg5 : memref<640x128xf32, #tpu.memory_space<hbm>>) dst(%dma_wait3A_21 : memref<640x128xf32, #tpu.memory_space<vmem_shared>>)
      tpu.yield
    }) : () -> ()
    %mul3A_3 = arith.constant 80 : i32
    %mul3A_4 = arith.muli %add3A, %mul3A_3 : i32
    "tpu.region"() ({
      %run_scoped3A = tpu.sem_alloc : memref<!tpu.dma_semaphore, #tpu.memory_space<semaphore_mem>>
      %dma_start3A = arith.constant 0 : i32
      %dma_start3A_20 = tpu.memref_slice %arg3[%mul3A_4, %dma_start3A] : memref<2560x128xi32, #tpu.memory_space<hbm>> -> memref<80x128xi32, #tpu.memory_space<hbm>>
      %dma_start3A_21 = arith.constant 0 : i32
      %dma_start3A_22 = tpu.memref_slice %arg3[%mul3A_4, %dma_start3A_21] : memref<2560x128xi32, #tpu.memory_space<hbm>> -> memref<80x128xi32, #tpu.memory_space<hbm>>
      tpu.enqueue_dma source(%dma_start3A_22 : memref<80x128xi32, #tpu.memory_space<hbm>>) target(%arg7 : memref<80x128xi32, #tpu.memory_space<vmem>>) target_semaphore(%run_scoped3A : memref<!tpu.dma_semaphore, #tpu.memory_space<semaphore_mem>>)
      %dma_wait3A = arith.constant 0 : i32
      %dma_wait3A_23 = tpu.memref_slice %arg3[%mul3A_4, %dma_wait3A] : memref<2560x128xi32, #tpu.memory_space<hbm>> -> memref<80x128xi32, #tpu.memory_space<hbm>>
      %dma_wait3A_24 = arith.constant 0 : i32
      %dma_wait3A_25 = tpu.memref_slice %arg3[%mul3A_4, %dma_wait3A_24] : memref<2560x128xi32, #tpu.memory_space<hbm>> -> memref<80x128xi32, #tpu.memory_space<hbm>>
      tpu.wait_dma2 semaphore(%run_scoped3A : memref<!tpu.dma_semaphore, #tpu.memory_space<semaphore_mem>>) src(%dma_wait3A_25 : memref<80x128xi32, #tpu.memory_space<hbm>>) dst(%arg7 : memref<80x128xi32, #tpu.memory_space<vmem>>)
      tpu.yield
    }) : () -> ()
    %mul3A_5 = arith.constant 80 : i32
    %mul3A_6 = arith.muli %add3A, %mul3A_5 : i32
    "tpu.region"() ({
      %run_scoped3A = tpu.sem_alloc : memref<!tpu.dma_semaphore, #tpu.memory_space<semaphore_mem>>
      %dma_start3A = arith.constant 0 : i32
      %dma_start3A_20 = tpu.memref_slice %arg4[%mul3A_6, %dma_start3A] : memref<2560x128xi32, #tpu.memory_space<hbm>> -> memref<80x128xi32, #tpu.memory_space<hbm>>
      %dma_start3A_21 = arith.constant 0 : i32
      %dma_start3A_22 = tpu.memref_slice %arg4[%mul3A_6, %dma_start3A_21] : memref<2560x128xi32, #tpu.memory_space<hbm>> -> memref<80x128xi32, #tpu.memory_space<hbm>>
      tpu.enqueue_dma source(%dma_start3A_22 : memref<80x128xi32, #tpu.memory_space<hbm>>) target(%arg8 : memref<80x128xi32, #tpu.memory_space<vmem>>) target_semaphore(%run_scoped3A : memref<!tpu.dma_semaphore, #tpu.memory_space<semaphore_mem>>)
      %dma_wait3A = arith.constant 0 : i32
      %dma_wait3A_23 = tpu.memref_slice %arg4[%mul3A_6, %dma_wait3A] : memref<2560x128xi32, #tpu.memory_space<hbm>> -> memref<80x128xi32, #tpu.memory_space<hbm>>
      %dma_wait3A_24 = arith.constant 0 : i32
      %dma_wait3A_25 = tpu.memref_slice %arg4[%mul3A_6, %dma_wait3A_24] : memref<2560x128xi32, #tpu.memory_space<hbm>> -> memref<80x128xi32, #tpu.memory_space<hbm>>
      tpu.wait_dma2 semaphore(%run_scoped3A : memref<!tpu.dma_semaphore, #tpu.memory_space<semaphore_mem>>) src(%dma_wait3A_25 : memref<80x128xi32, #tpu.memory_space<hbm>>) dst(%arg8 : memref<80x128xi32, #tpu.memory_space<vmem>>)
      tpu.yield
    }) : () -> ()
    %barrier3A = arith.constant 0 : index
    tpu.barrier barrier_id(%barrier3A)
    %scan3A = arith.constant 0 : i32
    %scan3A_7 = arith.constant 0 : i32
    %scan3A_8 = arith.constant 80 : i32
    %scan3A_9 = arith.addi %scan3A_7, %scan3A_8 : i32
    %scan3A_10 = arith.constant 1 : i32
    scf.for %scan3A_20 = %scan3A_7 to %scan3A_9 step %scan3A_10  : i32 {
      %dma_start3A = arith.constant 0 : i32
      %dma_start3A_21 = tpu.memref_slice %arg7[%scan3A_20, %dma_start3A] : memref<80x128xi32, #tpu.memory_space<vmem>> -> memref<1x128xi32, #tpu.memory_space<vmem>>
      %dma_start3A_22 = tpu.memref_squeeze %dma_start3A_21 : memref<1x128xi32, #tpu.memory_space<vmem>> -> memref<128xi32, #tpu.memory_space<vmem>>
      %dma_start3A_23 = arith.constant 0 : i32
      %dma_start3A_24 = arith.constant 0 : i32
      %dma_start3A_25 = tpu.memref_slice %arg2[%dma_start3A_23, %dma_start3A_24] : memref<10240x128xf32, #tpu.memory_space<hbm>> -> memref<10240x128xf32, #tpu.memory_space<hbm>>
      tpu.enqueue_indirect_dma source(%dma_start3A_25 : memref<10240x128xf32, #tpu.memory_space<hbm>>) target(%arg9 : memref<128x128xf32, #tpu.memory_space<vmem>>) offsets(%dma_start3A_22 : memref<128xi32, #tpu.memory_space<vmem>>) semaphore(%arg11 : memref<!tpu.dma_semaphore, #tpu.memory_space<semaphore_mem>>)
      %dma_wait3A = arith.constant 0 : i32
      %dma_wait3A_26 = tpu.memref_slice %arg7[%scan3A_20, %dma_wait3A] : memref<80x128xi32, #tpu.memory_space<vmem>> -> memref<1x128xi32, #tpu.memory_space<vmem>>
      %dma_wait3A_27 = tpu.memref_squeeze %dma_wait3A_26 : memref<1x128xi32, #tpu.memory_space<vmem>> -> memref<128xi32, #tpu.memory_space<vmem>>
      %dma_wait3A_28 = arith.constant 0 : i32
      %dma_wait3A_29 = arith.constant 0 : i32
      %dma_wait3A_30 = tpu.memref_slice %arg2[%dma_wait3A_28, %dma_wait3A_29] : memref<10240x128xf32, #tpu.memory_space<hbm>> -> memref<10240x128xf32, #tpu.memory_space<hbm>>
      tpu.wait_indirect_dma semaphore(%arg11 : memref<!tpu.dma_semaphore, #tpu.memory_space<semaphore_mem>>) src(%dma_wait3A_30 : memref<10240x128xf32, #tpu.memory_space<hbm>>) dst(%arg9 : memref<128x128xf32, #tpu.memory_space<vmem>>)
      "tpu.region"() ({
        %run_scoped3A = tpu.sem_alloc : memref<!tpu.dma_semaphore, #tpu.memory_space<semaphore_mem>>
        %dma_start3A_31 = arith.constant 0 : i32
        %dma_start3A_32 = tpu.memref_slice %arg8[%scan3A_20, %dma_start3A_31] : memref<80x128xi32, #tpu.memory_space<vmem>> -> memref<1x128xi32, #tpu.memory_space<vmem>>
        %dma_start3A_33 = tpu.memref_squeeze %dma_start3A_32 : memref<1x128xi32, #tpu.memory_space<vmem>> -> memref<128xi32, #tpu.memory_space<vmem>>
        %dma_start3A_34 = arith.constant 0 : i32
        %dma_start3A_35 = arith.constant 0 : i32
        %dma_start3A_36 = tpu.memref_slice %arg10[%dma_start3A_34, %dma_start3A_35] : memref<10240x128xf32, #tpu.memory_space<vmem_shared>> -> memref<10240x128xf32, #tpu.memory_space<vmem_shared>>
        tpu.enqueue_indirect_dma source(%arg9 : memref<128x128xf32, #tpu.memory_space<vmem>>) target(%dma_start3A_36 : memref<10240x128xf32, #tpu.memory_space<vmem_shared>>) offsets(%dma_start3A_33 : memref<128xi32, #tpu.memory_space<vmem>>) semaphore(%run_scoped3A : memref<!tpu.dma_semaphore, #tpu.memory_space<semaphore_mem>>) {add = true}
        %dma_wait3A_37 = arith.constant 0 : i32
        %dma_wait3A_38 = tpu.memref_slice %arg8[%scan3A_20, %dma_wait3A_37] : memref<80x128xi32, #tpu.memory_space<vmem>> -> memref<1x128xi32, #tpu.memory_space<vmem>>
        %dma_wait3A_39 = tpu.memref_squeeze %dma_wait3A_38 : memref<1x128xi32, #tpu.memory_space<vmem>> -> memref<128xi32, #tpu.memory_space<vmem>>
        %dma_wait3A_40 = arith.constant 0 : i32
        %dma_wait3A_41 = arith.constant 0 : i32
        %dma_wait3A_42 = tpu.memref_slice %arg10[%dma_wait3A_40, %dma_wait3A_41] : memref<10240x128xf32, #tpu.memory_space<vmem_shared>> -> memref<10240x128xf32, #tpu.memory_space<vmem_shared>>
        tpu.wait_indirect_dma semaphore(%run_scoped3A : memref<!tpu.dma_semaphore, #tpu.memory_space<semaphore_mem>>) src(%arg9 : memref<128x128xf32, #tpu.memory_space<vmem>>) dst(%dma_wait3A_42 : memref<10240x128xf32, #tpu.memory_space<vmem_shared>>)
        tpu.yield
      }) : () -> ()
    }
    %scan3A_11 = arith.constant 80 : i32
    %barrier3A_12 = arith.constant 0 : index
    tpu.barrier barrier_id(%barrier3A_12)
    %mul3A_13 = arith.constant 10240 : i32
    %mul3A_14 = arith.muli %arg0, %mul3A_13 : i32
    %mul3A_15 = arith.constant 640 : i32
    %mul3A_16 = arith.muli %arg1, %mul3A_15 : i32
    %add3A_17 = arith.addi %mul3A_14, %mul3A_16 : i32
    %mul3A_18 = arith.constant 640 : i32
    %mul3A_19 = arith.muli %arg1, %mul3A_18 : i32
    "tpu.region"() ({
      %run_scoped3A = tpu.sem_alloc : memref<!tpu.dma_semaphore, #tpu.memory_space<semaphore_mem>>
      %dma_start3A = arith.constant 0 : i32
      %dma_start3A_20 = tpu.memref_slice %arg6[%add3A_17, %dma_start3A] : memref<20480x128xf32, #tpu.memory_space<hbm>> -> memref<640x128xf32, #tpu.memory_space<hbm>>
      %dma_start3A_21 = arith.constant 0 : i32
      %dma_start3A_22 = tpu.memref_slice %arg10[%mul3A_19, %dma_start3A_21] : memref<10240x128xf32, #tpu.memory_space<vmem_shared>> -> memref<640x128xf32, #tpu.memory_space<vmem_shared>>
      tpu.enqueue_dma source(%dma_start3A_22 : memref<640x128xf32, #tpu.memory_space<vmem_shared>>) target(%dma_start3A_20 : memref<640x128xf32, #tpu.memory_space<hbm>>) target_semaphore(%run_scoped3A : memref<!tpu.dma_semaphore, #tpu.memory_space<semaphore_mem>>)
      %dma_wait3A = arith.constant 0 : i32
      %dma_wait3A_23 = tpu.memref_slice %arg6[%add3A_17, %dma_wait3A] : memref<20480x128xf32, #tpu.memory_space<hbm>> -> memref<640x128xf32, #tpu.memory_space<hbm>>
      %dma_wait3A_24 = arith.constant 0 : i32
      %dma_wait3A_25 = tpu.memref_slice %arg10[%mul3A_19, %dma_wait3A_24] : memref<10240x128xf32, #tpu.memory_space<vmem_shared>> -> memref<640x128xf32, #tpu.memory_space<vmem_shared>>
      tpu.wait_dma2 semaphore(%run_scoped3A : memref<!tpu.dma_semaphore, #tpu.memory_space<semaphore_mem>>) src(%dma_wait3A_25 : memref<640x128xf32, #tpu.memory_space<vmem_shared>>) dst(%dma_wait3A_23 : memref<640x128xf32, #tpu.memory_space<hbm>>)
      tpu.yield
    }) : () -> ()
    return
  }
}

#map = affine_map<(d0, d1) -> (0, 0)>
module attributes {stable_mosaic.version = 14 : i64} {
  func.func @_segsum_body(%arg0: i32, %arg1: i32, %arg2: memref<10000x128xf32, #tpu.memory_space<hbm>>, %arg3: memref<2560x128xi32, #tpu.memory_space<hbm>>, %arg4: memref<2560x128xi32, #tpu.memory_space<hbm>>, %arg5: memref<640x128xf32, #tpu.memory_space<hbm>>, %arg6: memref<20480x128xf32, #tpu.memory_space<hbm>>, %arg7: memref<80x128xi32, #tpu.memory_space<vmem>>, %arg8: memref<80x128xi32, #tpu.memory_space<vmem>>, %arg9: memref<128x128xf32, #tpu.memory_space<vmem>>, %arg10: memref<10240x128xf32, #tpu.memory_space<vmem_shared>>, %arg11: memref<!tpu.dma_semaphore, #tpu.memory_space<semaphore_mem>>) attributes {dimension_semantics = [#tpu.dimension_semantics<core_parallel>, #tpu.dimension_semantics<subcore_parallel>], iteration_bounds = array<i64: 2, 16>, scalar_prefetch = 0 : i64, scratch_operands = 5 : i64, tpu.core_type = #tpu.core_type<sc_vector_subcore>, window_params = [{transform_indices = #map}, {transform_indices = #map}, {transform_indices = #map}, {transform_indices = #map}, {transform_indices = #map}]} {
    %mul3A = arith.constant 2 : i32
    %mul3A_0 = arith.muli %arg1, %mul3A : i32
    %add3A = arith.addi %mul3A_0, %arg0 : i32
    %mul3A_1 = arith.constant 640 : i32
    %mul3A_2 = arith.muli %arg1, %mul3A_1 : i32
    "tpu.region"() ({
      %run_scoped3A = tpu.sem_alloc : memref<!tpu.dma_semaphore, #tpu.memory_space<semaphore_mem>>
      %dma_start3A = arith.constant 0 : i32
      %dma_start3A_20 = tpu.memref_slice %arg10[%mul3A_2, %dma_start3A] : memref<10240x128xf32, #tpu.memory_space<vmem_shared>> -> memref<640x128xf32, #tpu.memory_space<vmem_shared>>
      tpu.enqueue_dma source(%arg5 : memref<640x128xf32, #tpu.memory_space<hbm>>) target(%dma_start3A_20 : memref<640x128xf32, #tpu.memory_space<vmem_shared>>) target_semaphore(%run_scoped3A : memref<!tpu.dma_semaphore, #tpu.memory_space<semaphore_mem>>)
      %dma_wait3A = arith.constant 0 : i32
      %dma_wait3A_21 = tpu.memref_slice %arg10[%mul3A_2, %dma_wait3A] : memref<10240x128xf32, #tpu.memory_space<vmem_shared>> -> memref<640x128xf32, #tpu.memory_space<vmem_shared>>
      tpu.wait_dma2 semaphore(%run_scoped3A : memref<!tpu.dma_semaphore, #tpu.memory_space<semaphore_mem>>) src(%arg5 : memref<640x128xf32, #tpu.memory_space<hbm>>) dst(%dma_wait3A_21 : memref<640x128xf32, #tpu.memory_space<vmem_shared>>)
      tpu.yield
    }) : () -> ()
    %mul3A_3 = arith.constant 80 : i32
    %mul3A_4 = arith.muli %add3A, %mul3A_3 : i32
    "tpu.region"() ({
      %run_scoped3A = tpu.sem_alloc : memref<!tpu.dma_semaphore, #tpu.memory_space<semaphore_mem>>
      %dma_start3A = arith.constant 0 : i32
      %dma_start3A_20 = tpu.memref_slice %arg3[%mul3A_4, %dma_start3A] : memref<2560x128xi32, #tpu.memory_space<hbm>> -> memref<80x128xi32, #tpu.memory_space<hbm>>
      %dma_start3A_21 = arith.constant 0 : i32
      %dma_start3A_22 = tpu.memref_slice %arg3[%mul3A_4, %dma_start3A_21] : memref<2560x128xi32, #tpu.memory_space<hbm>> -> memref<80x128xi32, #tpu.memory_space<hbm>>
      tpu.enqueue_dma source(%dma_start3A_22 : memref<80x128xi32, #tpu.memory_space<hbm>>) target(%arg7 : memref<80x128xi32, #tpu.memory_space<vmem>>) target_semaphore(%run_scoped3A : memref<!tpu.dma_semaphore, #tpu.memory_space<semaphore_mem>>)
      %dma_wait3A = arith.constant 0 : i32
      %dma_wait3A_23 = tpu.memref_slice %arg3[%mul3A_4, %dma_wait3A] : memref<2560x128xi32, #tpu.memory_space<hbm>> -> memref<80x128xi32, #tpu.memory_space<hbm>>
      %dma_wait3A_24 = arith.constant 0 : i32
      %dma_wait3A_25 = tpu.memref_slice %arg3[%mul3A_4, %dma_wait3A_24] : memref<2560x128xi32, #tpu.memory_space<hbm>> -> memref<80x128xi32, #tpu.memory_space<hbm>>
      tpu.wait_dma2 semaphore(%run_scoped3A : memref<!tpu.dma_semaphore, #tpu.memory_space<semaphore_mem>>) src(%dma_wait3A_25 : memref<80x128xi32, #tpu.memory_space<hbm>>) dst(%arg7 : memref<80x128xi32, #tpu.memory_space<vmem>>)
      tpu.yield
    }) : () -> ()
    %mul3A_5 = arith.constant 80 : i32
    %mul3A_6 = arith.muli %add3A, %mul3A_5 : i32
    "tpu.region"() ({
      %run_scoped3A = tpu.sem_alloc : memref<!tpu.dma_semaphore, #tpu.memory_space<semaphore_mem>>
      %dma_start3A = arith.constant 0 : i32
      %dma_start3A_20 = tpu.memref_slice %arg4[%mul3A_6, %dma_start3A] : memref<2560x128xi32, #tpu.memory_space<hbm>> -> memref<80x128xi32, #tpu.memory_space<hbm>>
      %dma_start3A_21 = arith.constant 0 : i32
      %dma_start3A_22 = tpu.memref_slice %arg4[%mul3A_6, %dma_start3A_21] : memref<2560x128xi32, #tpu.memory_space<hbm>> -> memref<80x128xi32, #tpu.memory_space<hbm>>
      tpu.enqueue_dma source(%dma_start3A_22 : memref<80x128xi32, #tpu.memory_space<hbm>>) target(%arg8 : memref<80x128xi32, #tpu.memory_space<vmem>>) target_semaphore(%run_scoped3A : memref<!tpu.dma_semaphore, #tpu.memory_space<semaphore_mem>>)
      %dma_wait3A = arith.constant 0 : i32
      %dma_wait3A_23 = tpu.memref_slice %arg4[%mul3A_6, %dma_wait3A] : memref<2560x128xi32, #tpu.memory_space<hbm>> -> memref<80x128xi32, #tpu.memory_space<hbm>>
      %dma_wait3A_24 = arith.constant 0 : i32
      %dma_wait3A_25 = tpu.memref_slice %arg4[%mul3A_6, %dma_wait3A_24] : memref<2560x128xi32, #tpu.memory_space<hbm>> -> memref<80x128xi32, #tpu.memory_space<hbm>>
      tpu.wait_dma2 semaphore(%run_scoped3A : memref<!tpu.dma_semaphore, #tpu.memory_space<semaphore_mem>>) src(%dma_wait3A_25 : memref<80x128xi32, #tpu.memory_space<hbm>>) dst(%arg8 : memref<80x128xi32, #tpu.memory_space<vmem>>)
      tpu.yield
    }) : () -> ()
    %barrier3A = arith.constant 0 : index
    tpu.barrier barrier_id(%barrier3A)
    %scan3A = arith.constant 0 : i32
    %scan3A_7 = arith.constant 0 : i32
    %scan3A_8 = arith.constant 80 : i32
    %scan3A_9 = arith.addi %scan3A_7, %scan3A_8 : i32
    %scan3A_10 = arith.constant 1 : i32
    scf.for %scan3A_20 = %scan3A_7 to %scan3A_9 step %scan3A_10  : i32 {
      %dma_start3A = arith.constant 0 : i32
      %dma_start3A_21 = tpu.memref_slice %arg7[%scan3A_20, %dma_start3A] : memref<80x128xi32, #tpu.memory_space<vmem>> -> memref<1x128xi32, #tpu.memory_space<vmem>>
      %dma_start3A_22 = tpu.memref_squeeze %dma_start3A_21 : memref<1x128xi32, #tpu.memory_space<vmem>> -> memref<128xi32, #tpu.memory_space<vmem>>
      %dma_start3A_23 = arith.constant 0 : i32
      %dma_start3A_24 = arith.constant 0 : i32
      %dma_start3A_25 = tpu.memref_slice %arg2[%dma_start3A_23, %dma_start3A_24] : memref<10000x128xf32, #tpu.memory_space<hbm>> -> memref<10000x128xf32, #tpu.memory_space<hbm>>
      tpu.enqueue_indirect_dma source(%dma_start3A_25 : memref<10000x128xf32, #tpu.memory_space<hbm>>) target(%arg9 : memref<128x128xf32, #tpu.memory_space<vmem>>) offsets(%dma_start3A_22 : memref<128xi32, #tpu.memory_space<vmem>>) semaphore(%arg11 : memref<!tpu.dma_semaphore, #tpu.memory_space<semaphore_mem>>)
      %dma_wait3A = arith.constant 0 : i32
      %dma_wait3A_26 = tpu.memref_slice %arg7[%scan3A_20, %dma_wait3A] : memref<80x128xi32, #tpu.memory_space<vmem>> -> memref<1x128xi32, #tpu.memory_space<vmem>>
      %dma_wait3A_27 = tpu.memref_squeeze %dma_wait3A_26 : memref<1x128xi32, #tpu.memory_space<vmem>> -> memref<128xi32, #tpu.memory_space<vmem>>
      %dma_wait3A_28 = arith.constant 0 : i32
      %dma_wait3A_29 = arith.constant 0 : i32
      %dma_wait3A_30 = tpu.memref_slice %arg2[%dma_wait3A_28, %dma_wait3A_29] : memref<10000x128xf32, #tpu.memory_space<hbm>> -> memref<10000x128xf32, #tpu.memory_space<hbm>>
      tpu.wait_indirect_dma semaphore(%arg11 : memref<!tpu.dma_semaphore, #tpu.memory_space<semaphore_mem>>) src(%dma_wait3A_30 : memref<10000x128xf32, #tpu.memory_space<hbm>>) dst(%arg9 : memref<128x128xf32, #tpu.memory_space<vmem>>)
      "tpu.region"() ({
        %run_scoped3A = tpu.sem_alloc : memref<!tpu.dma_semaphore, #tpu.memory_space<semaphore_mem>>
        %dma_start3A_31 = arith.constant 0 : i32
        %dma_start3A_32 = tpu.memref_slice %arg8[%scan3A_20, %dma_start3A_31] : memref<80x128xi32, #tpu.memory_space<vmem>> -> memref<1x128xi32, #tpu.memory_space<vmem>>
        %dma_start3A_33 = tpu.memref_squeeze %dma_start3A_32 : memref<1x128xi32, #tpu.memory_space<vmem>> -> memref<128xi32, #tpu.memory_space<vmem>>
        %dma_start3A_34 = arith.constant 0 : i32
        %dma_start3A_35 = arith.constant 0 : i32
        %dma_start3A_36 = tpu.memref_slice %arg10[%dma_start3A_34, %dma_start3A_35] : memref<10240x128xf32, #tpu.memory_space<vmem_shared>> -> memref<10240x128xf32, #tpu.memory_space<vmem_shared>>
        tpu.enqueue_indirect_dma source(%arg9 : memref<128x128xf32, #tpu.memory_space<vmem>>) target(%dma_start3A_36 : memref<10240x128xf32, #tpu.memory_space<vmem_shared>>) offsets(%dma_start3A_33 : memref<128xi32, #tpu.memory_space<vmem>>) semaphore(%run_scoped3A : memref<!tpu.dma_semaphore, #tpu.memory_space<semaphore_mem>>) {add = true}
        %dma_wait3A_37 = arith.constant 0 : i32
        %dma_wait3A_38 = tpu.memref_slice %arg8[%scan3A_20, %dma_wait3A_37] : memref<80x128xi32, #tpu.memory_space<vmem>> -> memref<1x128xi32, #tpu.memory_space<vmem>>
        %dma_wait3A_39 = tpu.memref_squeeze %dma_wait3A_38 : memref<1x128xi32, #tpu.memory_space<vmem>> -> memref<128xi32, #tpu.memory_space<vmem>>
        %dma_wait3A_40 = arith.constant 0 : i32
        %dma_wait3A_41 = arith.constant 0 : i32
        %dma_wait3A_42 = tpu.memref_slice %arg10[%dma_wait3A_40, %dma_wait3A_41] : memref<10240x128xf32, #tpu.memory_space<vmem_shared>> -> memref<10240x128xf32, #tpu.memory_space<vmem_shared>>
        tpu.wait_indirect_dma semaphore(%run_scoped3A : memref<!tpu.dma_semaphore, #tpu.memory_space<semaphore_mem>>) src(%arg9 : memref<128x128xf32, #tpu.memory_space<vmem>>) dst(%dma_wait3A_42 : memref<10240x128xf32, #tpu.memory_space<vmem_shared>>)
        tpu.yield
      }) : () -> ()
    }
    %scan3A_11 = arith.constant 80 : i32
    %barrier3A_12 = arith.constant 0 : index
    tpu.barrier barrier_id(%barrier3A_12)
    %mul3A_13 = arith.constant 10240 : i32
    %mul3A_14 = arith.muli %arg0, %mul3A_13 : i32
    %mul3A_15 = arith.constant 640 : i32
    %mul3A_16 = arith.muli %arg1, %mul3A_15 : i32
    %add3A_17 = arith.addi %mul3A_14, %mul3A_16 : i32
    %mul3A_18 = arith.constant 640 : i32
    %mul3A_19 = arith.muli %arg1, %mul3A_18 : i32
    "tpu.region"() ({
      %run_scoped3A = tpu.sem_alloc : memref<!tpu.dma_semaphore, #tpu.memory_space<semaphore_mem>>
      %dma_start3A = arith.constant 0 : i32
      %dma_start3A_20 = tpu.memref_slice %arg6[%add3A_17, %dma_start3A] : memref<20480x128xf32, #tpu.memory_space<hbm>> -> memref<640x128xf32, #tpu.memory_space<hbm>>
      %dma_start3A_21 = arith.constant 0 : i32
      %dma_start3A_22 = tpu.memref_slice %arg10[%mul3A_19, %dma_start3A_21] : memref<10240x128xf32, #tpu.memory_space<vmem_shared>> -> memref<640x128xf32, #tpu.memory_space<vmem_shared>>
      tpu.enqueue_dma source(%dma_start3A_22 : memref<640x128xf32, #tpu.memory_space<vmem_shared>>) target(%dma_start3A_20 : memref<640x128xf32, #tpu.memory_space<hbm>>) target_semaphore(%run_scoped3A : memref<!tpu.dma_semaphore, #tpu.memory_space<semaphore_mem>>)
      %dma_wait3A = arith.constant 0 : i32
      %dma_wait3A_23 = tpu.memref_slice %arg6[%add3A_17, %dma_wait3A] : memref<20480x128xf32, #tpu.memory_space<hbm>> -> memref<640x128xf32, #tpu.memory_space<hbm>>
      %dma_wait3A_24 = arith.constant 0 : i32
      %dma_wait3A_25 = tpu.memref_slice %arg10[%mul3A_19, %dma_wait3A_24] : memref<10240x128xf32, #tpu.memory_space<vmem_shared>> -> memref<640x128xf32, #tpu.memory_space<vmem_shared>>
      tpu.wait_dma2 semaphore(%run_scoped3A : memref<!tpu.dma_semaphore, #tpu.memory_space<semaphore_mem>>) src(%dma_wait3A_25 : memref<640x128xf32, #tpu.memory_space<vmem_shared>>) dst(%dma_wait3A_23 : memref<640x128xf32, #tpu.memory_space<hbm>>)
      tpu.yield
    }) : () -> ()
    return
  }
}

#map = affine_map<(d0, d1) -> (0, 0)>
module attributes {stable_mosaic.version = 14 : i64} {
  func.func @_segsum_body(%arg0: i32, %arg1: i32, %arg2: memref<8x128xf32, #tpu.memory_space<hbm>>, %arg3: memref<2560x128xi32, #tpu.memory_space<hbm>>, %arg4: memref<2560x128xi32, #tpu.memory_space<hbm>>, %arg5: memref<640x128xf32, #tpu.memory_space<hbm>>, %arg6: memref<20480x128xf32, #tpu.memory_space<hbm>>, %arg7: memref<80x128xi32, #tpu.memory_space<vmem>>, %arg8: memref<80x128xi32, #tpu.memory_space<vmem>>, %arg9: memref<128x128xf32, #tpu.memory_space<vmem>>, %arg10: memref<10240x128xf32, #tpu.memory_space<vmem_shared>>, %arg11: memref<!tpu.dma_semaphore, #tpu.memory_space<semaphore_mem>>) attributes {dimension_semantics = [#tpu.dimension_semantics<core_parallel>, #tpu.dimension_semantics<subcore_parallel>], iteration_bounds = array<i64: 2, 16>, scalar_prefetch = 0 : i64, scratch_operands = 5 : i64, tpu.core_type = #tpu.core_type<sc_vector_subcore>, window_params = [{transform_indices = #map}, {transform_indices = #map}, {transform_indices = #map}, {transform_indices = #map}, {transform_indices = #map}]} {
    %mul3A = arith.constant 2 : i32
    %mul3A_0 = arith.muli %arg1, %mul3A : i32
    %add3A = arith.addi %mul3A_0, %arg0 : i32
    %mul3A_1 = arith.constant 640 : i32
    %mul3A_2 = arith.muli %arg1, %mul3A_1 : i32
    "tpu.region"() ({
      %run_scoped3A = tpu.sem_alloc : memref<!tpu.dma_semaphore, #tpu.memory_space<semaphore_mem>>
      %dma_start3A = arith.constant 0 : i32
      %dma_start3A_20 = tpu.memref_slice %arg10[%mul3A_2, %dma_start3A] : memref<10240x128xf32, #tpu.memory_space<vmem_shared>> -> memref<640x128xf32, #tpu.memory_space<vmem_shared>>
      tpu.enqueue_dma source(%arg5 : memref<640x128xf32, #tpu.memory_space<hbm>>) target(%dma_start3A_20 : memref<640x128xf32, #tpu.memory_space<vmem_shared>>) target_semaphore(%run_scoped3A : memref<!tpu.dma_semaphore, #tpu.memory_space<semaphore_mem>>)
      %dma_wait3A = arith.constant 0 : i32
      %dma_wait3A_21 = tpu.memref_slice %arg10[%mul3A_2, %dma_wait3A] : memref<10240x128xf32, #tpu.memory_space<vmem_shared>> -> memref<640x128xf32, #tpu.memory_space<vmem_shared>>
      tpu.wait_dma2 semaphore(%run_scoped3A : memref<!tpu.dma_semaphore, #tpu.memory_space<semaphore_mem>>) src(%arg5 : memref<640x128xf32, #tpu.memory_space<hbm>>) dst(%dma_wait3A_21 : memref<640x128xf32, #tpu.memory_space<vmem_shared>>)
      tpu.yield
    }) : () -> ()
    %mul3A_3 = arith.constant 80 : i32
    %mul3A_4 = arith.muli %add3A, %mul3A_3 : i32
    "tpu.region"() ({
      %run_scoped3A = tpu.sem_alloc : memref<!tpu.dma_semaphore, #tpu.memory_space<semaphore_mem>>
      %dma_start3A = arith.constant 0 : i32
      %dma_start3A_20 = tpu.memref_slice %arg3[%mul3A_4, %dma_start3A] : memref<2560x128xi32, #tpu.memory_space<hbm>> -> memref<80x128xi32, #tpu.memory_space<hbm>>
      %dma_start3A_21 = arith.constant 0 : i32
      %dma_start3A_22 = tpu.memref_slice %arg3[%mul3A_4, %dma_start3A_21] : memref<2560x128xi32, #tpu.memory_space<hbm>> -> memref<80x128xi32, #tpu.memory_space<hbm>>
      tpu.enqueue_dma source(%dma_start3A_22 : memref<80x128xi32, #tpu.memory_space<hbm>>) target(%arg7 : memref<80x128xi32, #tpu.memory_space<vmem>>) target_semaphore(%run_scoped3A : memref<!tpu.dma_semaphore, #tpu.memory_space<semaphore_mem>>)
      %dma_wait3A = arith.constant 0 : i32
      %dma_wait3A_23 = tpu.memref_slice %arg3[%mul3A_4, %dma_wait3A] : memref<2560x128xi32, #tpu.memory_space<hbm>> -> memref<80x128xi32, #tpu.memory_space<hbm>>
      %dma_wait3A_24 = arith.constant 0 : i32
      %dma_wait3A_25 = tpu.memref_slice %arg3[%mul3A_4, %dma_wait3A_24] : memref<2560x128xi32, #tpu.memory_space<hbm>> -> memref<80x128xi32, #tpu.memory_space<hbm>>
      tpu.wait_dma2 semaphore(%run_scoped3A : memref<!tpu.dma_semaphore, #tpu.memory_space<semaphore_mem>>) src(%dma_wait3A_25 : memref<80x128xi32, #tpu.memory_space<hbm>>) dst(%arg7 : memref<80x128xi32, #tpu.memory_space<vmem>>)
      tpu.yield
    }) : () -> ()
    %mul3A_5 = arith.constant 80 : i32
    %mul3A_6 = arith.muli %add3A, %mul3A_5 : i32
    "tpu.region"() ({
      %run_scoped3A = tpu.sem_alloc : memref<!tpu.dma_semaphore, #tpu.memory_space<semaphore_mem>>
      %dma_start3A = arith.constant 0 : i32
      %dma_start3A_20 = tpu.memref_slice %arg4[%mul3A_6, %dma_start3A] : memref<2560x128xi32, #tpu.memory_space<hbm>> -> memref<80x128xi32, #tpu.memory_space<hbm>>
      %dma_start3A_21 = arith.constant 0 : i32
      %dma_start3A_22 = tpu.memref_slice %arg4[%mul3A_6, %dma_start3A_21] : memref<2560x128xi32, #tpu.memory_space<hbm>> -> memref<80x128xi32, #tpu.memory_space<hbm>>
      tpu.enqueue_dma source(%dma_start3A_22 : memref<80x128xi32, #tpu.memory_space<hbm>>) target(%arg8 : memref<80x128xi32, #tpu.memory_space<vmem>>) target_semaphore(%run_scoped3A : memref<!tpu.dma_semaphore, #tpu.memory_space<semaphore_mem>>)
      %dma_wait3A = arith.constant 0 : i32
      %dma_wait3A_23 = tpu.memref_slice %arg4[%mul3A_6, %dma_wait3A] : memref<2560x128xi32, #tpu.memory_space<hbm>> -> memref<80x128xi32, #tpu.memory_space<hbm>>
      %dma_wait3A_24 = arith.constant 0 : i32
      %dma_wait3A_25 = tpu.memref_slice %arg4[%mul3A_6, %dma_wait3A_24] : memref<2560x128xi32, #tpu.memory_space<hbm>> -> memref<80x128xi32, #tpu.memory_space<hbm>>
      tpu.wait_dma2 semaphore(%run_scoped3A : memref<!tpu.dma_semaphore, #tpu.memory_space<semaphore_mem>>) src(%dma_wait3A_25 : memref<80x128xi32, #tpu.memory_space<hbm>>) dst(%arg8 : memref<80x128xi32, #tpu.memory_space<vmem>>)
      tpu.yield
    }) : () -> ()
    %barrier3A = arith.constant 0 : index
    tpu.barrier barrier_id(%barrier3A)
    %scan3A = arith.constant 0 : i32
    %scan3A_7 = arith.constant 0 : i32
    %scan3A_8 = arith.constant 80 : i32
    %scan3A_9 = arith.addi %scan3A_7, %scan3A_8 : i32
    %scan3A_10 = arith.constant 1 : i32
    scf.for %scan3A_20 = %scan3A_7 to %scan3A_9 step %scan3A_10  : i32 {
      %dma_start3A = arith.constant 0 : i32
      %dma_start3A_21 = tpu.memref_slice %arg7[%scan3A_20, %dma_start3A] : memref<80x128xi32, #tpu.memory_space<vmem>> -> memref<1x128xi32, #tpu.memory_space<vmem>>
      %dma_start3A_22 = tpu.memref_squeeze %dma_start3A_21 : memref<1x128xi32, #tpu.memory_space<vmem>> -> memref<128xi32, #tpu.memory_space<vmem>>
      %dma_start3A_23 = arith.constant 0 : i32
      %dma_start3A_24 = arith.constant 0 : i32
      %dma_start3A_25 = tpu.memref_slice %arg2[%dma_start3A_23, %dma_start3A_24] : memref<8x128xf32, #tpu.memory_space<hbm>> -> memref<8x128xf32, #tpu.memory_space<hbm>>
      tpu.enqueue_indirect_dma source(%dma_start3A_25 : memref<8x128xf32, #tpu.memory_space<hbm>>) target(%arg9 : memref<128x128xf32, #tpu.memory_space<vmem>>) offsets(%dma_start3A_22 : memref<128xi32, #tpu.memory_space<vmem>>) semaphore(%arg11 : memref<!tpu.dma_semaphore, #tpu.memory_space<semaphore_mem>>)
      %dma_wait3A = arith.constant 0 : i32
      %dma_wait3A_26 = tpu.memref_slice %arg7[%scan3A_20, %dma_wait3A] : memref<80x128xi32, #tpu.memory_space<vmem>> -> memref<1x128xi32, #tpu.memory_space<vmem>>
      %dma_wait3A_27 = tpu.memref_squeeze %dma_wait3A_26 : memref<1x128xi32, #tpu.memory_space<vmem>> -> memref<128xi32, #tpu.memory_space<vmem>>
      %dma_wait3A_28 = arith.constant 0 : i32
      %dma_wait3A_29 = arith.constant 0 : i32
      %dma_wait3A_30 = tpu.memref_slice %arg2[%dma_wait3A_28, %dma_wait3A_29] : memref<8x128xf32, #tpu.memory_space<hbm>> -> memref<8x128xf32, #tpu.memory_space<hbm>>
      tpu.wait_indirect_dma semaphore(%arg11 : memref<!tpu.dma_semaphore, #tpu.memory_space<semaphore_mem>>) src(%dma_wait3A_30 : memref<8x128xf32, #tpu.memory_space<hbm>>) dst(%arg9 : memref<128x128xf32, #tpu.memory_space<vmem>>)
      "tpu.region"() ({
        %run_scoped3A = tpu.sem_alloc : memref<!tpu.dma_semaphore, #tpu.memory_space<semaphore_mem>>
        %dma_start3A_31 = arith.constant 0 : i32
        %dma_start3A_32 = tpu.memref_slice %arg8[%scan3A_20, %dma_start3A_31] : memref<80x128xi32, #tpu.memory_space<vmem>> -> memref<1x128xi32, #tpu.memory_space<vmem>>
        %dma_start3A_33 = tpu.memref_squeeze %dma_start3A_32 : memref<1x128xi32, #tpu.memory_space<vmem>> -> memref<128xi32, #tpu.memory_space<vmem>>
        %dma_start3A_34 = arith.constant 0 : i32
        %dma_start3A_35 = arith.constant 0 : i32
        %dma_start3A_36 = tpu.memref_slice %arg10[%dma_start3A_34, %dma_start3A_35] : memref<10240x128xf32, #tpu.memory_space<vmem_shared>> -> memref<10240x128xf32, #tpu.memory_space<vmem_shared>>
        tpu.enqueue_indirect_dma source(%arg9 : memref<128x128xf32, #tpu.memory_space<vmem>>) target(%dma_start3A_36 : memref<10240x128xf32, #tpu.memory_space<vmem_shared>>) offsets(%dma_start3A_33 : memref<128xi32, #tpu.memory_space<vmem>>) semaphore(%run_scoped3A : memref<!tpu.dma_semaphore, #tpu.memory_space<semaphore_mem>>) {add = true}
        %dma_wait3A_37 = arith.constant 0 : i32
        %dma_wait3A_38 = tpu.memref_slice %arg8[%scan3A_20, %dma_wait3A_37] : memref<80x128xi32, #tpu.memory_space<vmem>> -> memref<1x128xi32, #tpu.memory_space<vmem>>
        %dma_wait3A_39 = tpu.memref_squeeze %dma_wait3A_38 : memref<1x128xi32, #tpu.memory_space<vmem>> -> memref<128xi32, #tpu.memory_space<vmem>>
        %dma_wait3A_40 = arith.constant 0 : i32
        %dma_wait3A_41 = arith.constant 0 : i32
        %dma_wait3A_42 = tpu.memref_slice %arg10[%dma_wait3A_40, %dma_wait3A_41] : memref<10240x128xf32, #tpu.memory_space<vmem_shared>> -> memref<10240x128xf32, #tpu.memory_space<vmem_shared>>
        tpu.wait_indirect_dma semaphore(%run_scoped3A : memref<!tpu.dma_semaphore, #tpu.memory_space<semaphore_mem>>) src(%arg9 : memref<128x128xf32, #tpu.memory_space<vmem>>) dst(%dma_wait3A_42 : memref<10240x128xf32, #tpu.memory_space<vmem_shared>>)
        tpu.yield
      }) : () -> ()
    }
    %scan3A_11 = arith.constant 80 : i32
    %barrier3A_12 = arith.constant 0 : index
    tpu.barrier barrier_id(%barrier3A_12)
    %mul3A_13 = arith.constant 10240 : i32
    %mul3A_14 = arith.muli %arg0, %mul3A_13 : i32
    %mul3A_15 = arith.constant 640 : i32
    %mul3A_16 = arith.muli %arg1, %mul3A_15 : i32
    %add3A_17 = arith.addi %mul3A_14, %mul3A_16 : i32
    %mul3A_18 = arith.constant 640 : i32
    %mul3A_19 = arith.muli %arg1, %mul3A_18 : i32
    "tpu.region"() ({
      %run_scoped3A = tpu.sem_alloc : memref<!tpu.dma_semaphore, #tpu.memory_space<semaphore_mem>>
      %dma_start3A = arith.constant 0 : i32
      %dma_start3A_20 = tpu.memref_slice %arg6[%add3A_17, %dma_start3A] : memref<20480x128xf32, #tpu.memory_space<hbm>> -> memref<640x128xf32, #tpu.memory_space<hbm>>
      %dma_start3A_21 = arith.constant 0 : i32
      %dma_start3A_22 = tpu.memref_slice %arg10[%mul3A_19, %dma_start3A_21] : memref<10240x128xf32, #tpu.memory_space<vmem_shared>> -> memref<640x128xf32, #tpu.memory_space<vmem_shared>>
      tpu.enqueue_dma source(%dma_start3A_22 : memref<640x128xf32, #tpu.memory_space<vmem_shared>>) target(%dma_start3A_20 : memref<640x128xf32, #tpu.memory_space<hbm>>) target_semaphore(%run_scoped3A : memref<!tpu.dma_semaphore, #tpu.memory_space<semaphore_mem>>)
      %dma_wait3A = arith.constant 0 : i32
      %dma_wait3A_23 = tpu.memref_slice %arg6[%add3A_17, %dma_wait3A] : memref<20480x128xf32, #tpu.memory_space<hbm>> -> memref<640x128xf32, #tpu.memory_space<hbm>>
      %dma_wait3A_24 = arith.constant 0 : i32
      %dma_wait3A_25 = tpu.memref_slice %arg10[%mul3A_19, %dma_wait3A_24] : memref<10240x128xf32, #tpu.memory_space<vmem_shared>> -> memref<640x128xf32, #tpu.memory_space<vmem_shared>>
      tpu.wait_dma2 semaphore(%run_scoped3A : memref<!tpu.dma_semaphore, #tpu.memory_space<semaphore_mem>>) src(%dma_wait3A_25 : memref<640x128xf32, #tpu.memory_space<vmem_shared>>) dst(%dma_wait3A_23 : memref<640x128xf32, #tpu.memory_space<hbm>>)
      tpu.yield
    }) : () -> ()
    return
  }
}

module attributes {stable_mosaic.version = 14 : i64} {
  func.func @_layer1_body(%arg0: i32, %arg1: memref<512x128xf32, #tpu.memory_space<vmem>>, %arg2: memref<512x128xf32, #tpu.memory_space<vmem>>, %arg3: memref<512x128xf32, #tpu.memory_space<vmem>>, %arg4: memref<512x128xf32, #tpu.memory_space<vmem>>, %arg5: memref<512x128xf32, #tpu.memory_space<vmem>>, %arg6: memref<128x128xf32, #tpu.memory_space<vmem>>, %arg7: memref<1x128xf32, #tpu.memory_space<vmem>>, %arg8: memref<128x128xf32, #tpu.memory_space<vmem>>, %arg9: memref<512x128xf32, #tpu.memory_space<vmem>>) attributes {dimension_semantics = [#tpu.dimension_semantics<arbitrary>], iteration_bounds = array<i64: 20>, scalar_prefetch = 0 : i64, scratch_operands = 0 : i64, tpu.core_type = #tpu.core_type<tc>, window_params = [{transform_indices = @transform_0, window_bounds = array<i64: 512, 128>}, {transform_indices = @transform_1, window_bounds = array<i64: 512, 128>}, {transform_indices = @transform_2, window_bounds = array<i64: 512, 128>}, {transform_indices = @transform_3, window_bounds = array<i64: 512, 128>}, {transform_indices = @transform_4, window_bounds = array<i64: 512, 128>}, {pipeline_mode = #tpu.pipeline_mode<synchronous>, transform_indices = @transform_5, window_bounds = array<i64: 128, 128>}, {pipeline_mode = #tpu.pipeline_mode<synchronous>, transform_indices = @transform_6, window_bounds = array<i64: 1, 128>}, {pipeline_mode = #tpu.pipeline_mode<synchronous>, transform_indices = @transform_7, window_bounds = array<i64: 128, 128>}, {transform_indices = @transform_8, window_bounds = array<i64: 512, 128>}]} {
    %get3A = arith.constant 0 : index
    %get3A_0 = arith.constant 0 : index
    %get3A_1 = vector.load %arg4[%get3A, %get3A_0] : memref<512x128xf32, #tpu.memory_space<vmem>>, vector<512x128xf32>
    %slice3A = vector.extract_strided_slice %get3A_1 {offsets = [0, 0], sizes = [512, 1], strides = [1, 1]} : vector<512x128xf32> to vector<512x1xf32>
    %get3A_2 = arith.constant 0 : index
    %get3A_3 = arith.constant 0 : index
    %get3A_4 = vector.load %arg5[%get3A_2, %get3A_3] : memref<512x128xf32, #tpu.memory_space<vmem>>, vector<512x128xf32>
    %slice3A_5 = vector.extract_strided_slice %get3A_4 {offsets = [0, 0], sizes = [512, 1], strides = [1, 1]} : vector<512x128xf32> to vector<512x1xf32>
    %add3A = arith.addf %slice3A, %slice3A_5 : vector<512x1xf32>
    %max3A = arith.constant 1.000000e+00 : f32
    %max3A_6 = vector.broadcast %max3A : f32 to vector<512x1xf32>
    %max3A_7 = arith.maximumf %add3A, %max3A_6 : vector<512x1xf32>
    %get3A_8 = arith.constant 0 : index
    %get3A_9 = arith.constant 0 : index
    %get3A_10 = vector.load %arg2[%get3A_8, %get3A_9] : memref<512x128xf32, #tpu.memory_space<vmem>>, vector<512x128xf32>
    %get3A_11 = arith.constant 0 : index
    %get3A_12 = arith.constant 0 : index
    %get3A_13 = vector.load %arg3[%get3A_11, %get3A_12] : memref<512x128xf32, #tpu.memory_space<vmem>>, vector<512x128xf32>
    %add3A_14 = arith.addf %get3A_10, %get3A_13 : vector<512x128xf32>
    %div3A = vector.broadcast %max3A_7 : vector<512x1xf32> to vector<512x128xf32>
    %div3A_15 = arith.divf %add3A_14, %div3A : vector<512x128xf32>
    %get3A_16 = arith.constant 0 : index
    %get3A_17 = arith.constant 0 : index
    %get3A_18 = vector.load %arg6[%get3A_16, %get3A_17] : memref<128x128xf32, #tpu.memory_space<vmem>>, vector<128x128xf32>
    %dot_general3A = arith.constant dense<0.000000e+00> : vector<512x128xf32>
    %dot_general3A_19 = tpu.matmul %div3A_15, %get3A_18, %dot_general3A {dimension_numbers = #tpu.dot_dimension_numbers<[1], [1], [0], [0], [0, 0, 1, 0], [], []>, transpose_lhs_hint = false} : vector<512x128xf32>, vector<128x128xf32>, vector<512x128xf32> -> vector<512x128xf32>
    %get3A_20 = arith.constant 0 : index
    %get3A_21 = arith.constant 0 : index
    %get3A_22 = vector.load %arg7[%get3A_20, %get3A_21] : memref<1x128xf32, #tpu.memory_space<vmem>>, vector<1x128xf32>
    %add3A_23 = vector.broadcast %get3A_22 : vector<1x128xf32> to vector<512x128xf32>
    %add3A_24 = arith.addf %dot_general3A_19, %add3A_23 : vector<512x128xf32>
    %get3A_25 = arith.constant 0 : index
    %get3A_26 = arith.constant 0 : index
    %get3A_27 = vector.load %arg1[%get3A_25, %get3A_26] : memref<512x128xf32, #tpu.memory_space<vmem>>, vector<512x128xf32>
    %get3A_28 = arith.constant 0 : index
    %get3A_29 = arith.constant 0 : index
    %get3A_30 = vector.load %arg8[%get3A_28, %get3A_29] : memref<128x128xf32, #tpu.memory_space<vmem>>, vector<128x128xf32>
    %dot_general3A_31 = arith.constant dense<0.000000e+00> : vector<512x128xf32>
    %dot_general3A_32 = tpu.matmul %get3A_27, %get3A_30, %dot_general3A_31 {dimension_numbers = #tpu.dot_dimension_numbers<[1], [1], [0], [0], [0, 0, 1, 0], [], []>, transpose_lhs_hint = false} : vector<512x128xf32>, vector<128x128xf32>, vector<512x128xf32> -> vector<512x128xf32>
    %add3A_33 = arith.addf %add3A_24, %dot_general3A_32 : vector<512x128xf32>
    %max3A_34 = arith.constant 0.000000e+00 : f32
    %max3A_35 = vector.broadcast %max3A_34 : f32 to vector<512x128xf32>
    %max3A_36 = arith.maximumf %add3A_33, %max3A_35 : vector<512x128xf32>
    %swap3A = arith.constant 0 : index
    %swap3A_37 = arith.constant 0 : index
    %swap3A_38 = vector.load %arg9[%swap3A, %swap3A_37] : memref<512x128xf32, #tpu.memory_space<vmem>>, vector<512x128xf32>
    tpu.vector_store %arg9[%swap3A, %swap3A_37], %max3A_36 {strides = array<i32>} : memref<512x128xf32, #tpu.memory_space<vmem>>, vector<512x128xf32>,
    return
  }
  func.func @transform_0(%arg0: i32) -> (i32, i32) {
    %c0_i32 = arith.constant 0 : i32
    %c0_i32_0 = arith.constant 0 : i32
    return %arg0, %c0_i32 : i32, i32
  }
  func.func @transform_1(%arg0: i32) -> (i32, i32) {
    %c0_i32 = arith.constant 0 : i32
    %c0_i32_0 = arith.constant 0 : i32
    return %arg0, %c0_i32 : i32, i32
  }
  func.func @transform_2(%arg0: i32) -> (i32, i32) {
    %add3A = arith.constant 20 : i32
    %add3A_0 = arith.addi %arg0, %add3A : i32
    %c0_i32 = arith.constant 0 : i32
    %c0_i32_1 = arith.constant 0 : i32
    return %add3A_0, %c0_i32 : i32, i32
  }
  func.func @transform_3(%arg0: i32) -> (i32, i32) {
    %c0_i32 = arith.constant 0 : i32
    %c0_i32_0 = arith.constant 0 : i32
    return %arg0, %c0_i32 : i32, i32
  }
  func.func @transform_4(%arg0: i32) -> (i32, i32) {
    %add3A = arith.constant 20 : i32
    %add3A_0 = arith.addi %arg0, %add3A : i32
    %c0_i32 = arith.constant 0 : i32
    %c0_i32_1 = arith.constant 0 : i32
    return %add3A_0, %c0_i32 : i32, i32
  }
  func.func @transform_5(%arg0: i32) -> (i32, i32) {
    %c0_i32 = arith.constant 0 : i32
    %c0_i32_0 = arith.constant 0 : i32
    %c0_i32_1 = arith.constant 0 : i32
    return %c0_i32, %c0_i32_0 : i32, i32
  }
  func.func @transform_6(%arg0: i32) -> (i32, i32) {
    %c0_i32 = arith.constant 0 : i32
    %c0_i32_0 = arith.constant 0 : i32
    %c0_i32_1 = arith.constant 0 : i32
    return %c0_i32, %c0_i32_0 : i32, i32
  }
  func.func @transform_7(%arg0: i32) -> (i32, i32) {
    %c0_i32 = arith.constant 0 : i32
    %c0_i32_0 = arith.constant 0 : i32
    %c0_i32_1 = arith.constant 0 : i32
    return %c0_i32, %c0_i32_0 : i32, i32
  }
  func.func @transform_8(%arg0: i32) -> (i32, i32) {
    %c0_i32 = arith.constant 0 : i32
    %c0_i32_0 = arith.constant 0 : i32
    return %arg0, %c0_i32 : i32, i32
  }
}

module attributes {stable_mosaic.version = 14 : i64} {
  func.func @_layer2_body(%arg0: i32, %arg1: memref<512x128xf32, #tpu.memory_space<vmem>>, %arg2: memref<512x128xf32, #tpu.memory_space<vmem>>, %arg3: memref<512x128xf32, #tpu.memory_space<vmem>>, %arg4: memref<512x128xf32, #tpu.memory_space<vmem>>, %arg5: memref<512x128xf32, #tpu.memory_space<vmem>>, %arg6: memref<128x128xf32, #tpu.memory_space<vmem>>, %arg7: memref<1x128xf32, #tpu.memory_space<vmem>>, %arg8: memref<128x128xf32, #tpu.memory_space<vmem>>, %arg9: memref<8x128xf32, #tpu.memory_space<vmem>>, %arg10: memref<1x1xf32, #tpu.memory_space<vmem>>, %arg11: memref<512x8xf32, #tpu.memory_space<vmem>>) attributes {dimension_semantics = [#tpu.dimension_semantics<arbitrary>], iteration_bounds = array<i64: 20>, scalar_prefetch = 0 : i64, scratch_operands = 0 : i64, tpu.core_type = #tpu.core_type<tc>, window_params = [{transform_indices = @transform_0, window_bounds = array<i64: 512, 128>}, {transform_indices = @transform_1, window_bounds = array<i64: 512, 128>}, {transform_indices = @transform_2, window_bounds = array<i64: 512, 128>}, {transform_indices = @transform_3, window_bounds = array<i64: 512, 128>}, {transform_indices = @transform_4, window_bounds = array<i64: 512, 128>}, {pipeline_mode = #tpu.pipeline_mode<synchronous>, transform_indices = @transform_5, window_bounds = array<i64: 128, 128>}, {pipeline_mode = #tpu.pipeline_mode<synchronous>, transform_indices = @transform_6, window_bounds = array<i64: 1, 128>}, {pipeline_mode = #tpu.pipeline_mode<synchronous>, transform_indices = @transform_7, window_bounds = array<i64: 128, 128>}, {pipeline_mode = #tpu.pipeline_mode<synchronous>, transform_indices = @transform_8, window_bounds = array<i64: 8, 128>}, {pipeline_mode = #tpu.pipeline_mode<synchronous>, transform_indices = @transform_9, window_bounds = array<i64: 1, 1>}, {transform_indices = @transform_10, window_bounds = array<i64: 512, 8>}]} {
    %get3A = arith.constant 0 : index
    %get3A_0 = arith.constant 0 : index
    %get3A_1 = vector.load %arg4[%get3A, %get3A_0] : memref<512x128xf32, #tpu.memory_space<vmem>>, vector<512x128xf32>
    %slice3A = vector.extract_strided_slice %get3A_1 {offsets = [0, 0], sizes = [512, 1], strides = [1, 1]} : vector<512x128xf32> to vector<512x1xf32>
    %get3A_2 = arith.constant 0 : index
    %get3A_3 = arith.constant 0 : index
    %get3A_4 = vector.load %arg5[%get3A_2, %get3A_3] : memref<512x128xf32, #tpu.memory_space<vmem>>, vector<512x128xf32>
    %slice3A_5 = vector.extract_strided_slice %get3A_4 {offsets = [0, 0], sizes = [512, 1], strides = [1, 1]} : vector<512x128xf32> to vector<512x1xf32>
    %add3A = arith.addf %slice3A, %slice3A_5 : vector<512x1xf32>
    %max3A = arith.constant 1.000000e+00 : f32
    %max3A_6 = vector.broadcast %max3A : f32 to vector<512x1xf32>
    %max3A_7 = arith.maximumf %add3A, %max3A_6 : vector<512x1xf32>
    %get3A_8 = arith.constant 0 : index
    %get3A_9 = arith.constant 0 : index
    %get3A_10 = vector.load %arg2[%get3A_8, %get3A_9] : memref<512x128xf32, #tpu.memory_space<vmem>>, vector<512x128xf32>
    %get3A_11 = arith.constant 0 : index
    %get3A_12 = arith.constant 0 : index
    %get3A_13 = vector.load %arg3[%get3A_11, %get3A_12] : memref<512x128xf32, #tpu.memory_space<vmem>>, vector<512x128xf32>
    %add3A_14 = arith.addf %get3A_10, %get3A_13 : vector<512x128xf32>
    %div3A = vector.broadcast %max3A_7 : vector<512x1xf32> to vector<512x128xf32>
    %div3A_15 = arith.divf %add3A_14, %div3A : vector<512x128xf32>
    %get3A_16 = arith.constant 0 : index
    %get3A_17 = arith.constant 0 : index
    %get3A_18 = vector.load %arg6[%get3A_16, %get3A_17] : memref<128x128xf32, #tpu.memory_space<vmem>>, vector<128x128xf32>
    %dot_general3A = arith.constant dense<0.000000e+00> : vector<512x128xf32>
    %dot_general3A_19 = tpu.matmul %div3A_15, %get3A_18, %dot_general3A {dimension_numbers = #tpu.dot_dimension_numbers<[1], [1], [0], [0], [0, 0, 1, 0], [], []>, transpose_lhs_hint = false} : vector<512x128xf32>, vector<128x128xf32>, vector<512x128xf32> -> vector<512x128xf32>
    %get3A_20 = arith.constant 0 : index
    %get3A_21 = arith.constant 0 : index
    %get3A_22 = vector.load %arg7[%get3A_20, %get3A_21] : memref<1x128xf32, #tpu.memory_space<vmem>>, vector<1x128xf32>
    %add3A_23 = vector.broadcast %get3A_22 : vector<1x128xf32> to vector<512x128xf32>
    %add3A_24 = arith.addf %dot_general3A_19, %add3A_23 : vector<512x128xf32>
    %get3A_25 = arith.constant 0 : index
    %get3A_26 = arith.constant 0 : index
    %get3A_27 = vector.load %arg1[%get3A_25, %get3A_26] : memref<512x128xf32, #tpu.memory_space<vmem>>, vector<512x128xf32>
    %get3A_28 = arith.constant 0 : index
    %get3A_29 = arith.constant 0 : index
    %get3A_30 = vector.load %arg8[%get3A_28, %get3A_29] : memref<128x128xf32, #tpu.memory_space<vmem>>, vector<128x128xf32>
    %dot_general3A_31 = arith.constant dense<0.000000e+00> : vector<512x128xf32>
    %dot_general3A_32 = tpu.matmul %get3A_27, %get3A_30, %dot_general3A_31 {dimension_numbers = #tpu.dot_dimension_numbers<[1], [1], [0], [0], [0, 0, 1, 0], [], []>, transpose_lhs_hint = false} : vector<512x128xf32>, vector<128x128xf32>, vector<512x128xf32> -> vector<512x128xf32>
    %add3A_33 = arith.addf %add3A_24, %dot_general3A_32 : vector<512x128xf32>
    %max3A_34 = arith.constant 0.000000e+00 : f32
    %max3A_35 = vector.broadcast %max3A_34 : f32 to vector<512x128xf32>
    %max3A_36 = arith.maximumf %add3A_33, %max3A_35 : vector<512x128xf32>
    %get3A_37 = arith.constant 0 : index
    %get3A_38 = arith.constant 0 : index
    %get3A_39 = vector.load %arg9[%get3A_37, %get3A_38] : memref<8x128xf32, #tpu.memory_space<vmem>>, vector<8x128xf32>
    %dot_general3A_40 = arith.constant dense<0.000000e+00> : vector<512x8xf32>
    %dot_general3A_41 = tpu.matmul %max3A_36, %get3A_39, %dot_general3A_40 {dimension_numbers = #tpu.dot_dimension_numbers<[1], [1], [0], [0], [0, 0, 1, 0], [], []>, transpose_lhs_hint = false} : vector<512x128xf32>, vector<8x128xf32>, vector<512x8xf32> -> vector<512x8xf32>
    %get3A_42 = arith.constant 0 : index
    %get3A_43 = arith.constant 0 : index
    %get3A_44 = vector.load %arg10[%get3A_42, %get3A_43] : memref<1x1xf32, #tpu.memory_space<vmem>>, vector<1x1xf32>
    %get3A_45 = vector.extract %get3A_44[0, 0] : f32 from vector<1x1xf32>
    %add3A_46 = vector.broadcast %get3A_45 : f32 to vector<512x8xf32>
    %add3A_47 = arith.addf %dot_general3A_41, %add3A_46 : vector<512x8xf32>
    %swap3A = arith.constant 0 : index
    %swap3A_48 = arith.constant 0 : index
    %swap3A_49 = vector.load %arg11[%swap3A, %swap3A_48] : memref<512x8xf32, #tpu.memory_space<vmem>>, vector<512x8xf32>
    tpu.vector_store %arg11[%swap3A, %swap3A_48], %add3A_47 {strides = array<i32>} : memref<512x8xf32, #tpu.memory_space<vmem>>, vector<512x8xf32>,
    return
  }
  func.func @transform_0(%arg0: i32) -> (i32, i32) {
    %c0_i32 = arith.constant 0 : i32
    %c0_i32_0 = arith.constant 0 : i32
    return %arg0, %c0_i32 : i32, i32
  }
  func.func @transform_1(%arg0: i32) -> (i32, i32) {
    %c0_i32 = arith.constant 0 : i32
    %c0_i32_0 = arith.constant 0 : i32
    return %arg0, %c0_i32 : i32, i32
  }
  func.func @transform_2(%arg0: i32) -> (i32, i32) {
    %add3A = arith.constant 20 : i32
    %add3A_0 = arith.addi %arg0, %add3A : i32
    %c0_i32 = arith.constant 0 : i32
    %c0_i32_1 = arith.constant 0 : i32
    return %add3A_0, %c0_i32 : i32, i32
  }
  func.func @transform_3(%arg0: i32) -> (i32, i32) {
    %c0_i32 = arith.constant 0 : i32
    %c0_i32_0 = arith.constant 0 : i32
    return %arg0, %c0_i32 : i32, i32
  }
  func.func @transform_4(%arg0: i32) -> (i32, i32) {
    %add3A = arith.constant 20 : i32
    %add3A_0 = arith.addi %arg0, %add3A : i32
    %c0_i32 = arith.constant 0 : i32
    %c0_i32_1 = arith.constant 0 : i32
    return %add3A_0, %c0_i32 : i32, i32
  }
  func.func @transform_5(%arg0: i32) -> (i32, i32) {
    %c0_i32 = arith.constant 0 : i32
    %c0_i32_0 = arith.constant 0 : i32
    %c0_i32_1 = arith.constant 0 : i32
    return %c0_i32, %c0_i32_0 : i32, i32
  }
  func.func @transform_6(%arg0: i32) -> (i32, i32) {
    %c0_i32 = arith.constant 0 : i32
    %c0_i32_0 = arith.constant 0 : i32
    %c0_i32_1 = arith.constant 0 : i32
    return %c0_i32, %c0_i32_0 : i32, i32
  }
  func.func @transform_7(%arg0: i32) -> (i32, i32) {
    %c0_i32 = arith.constant 0 : i32
    %c0_i32_0 = arith.constant 0 : i32
    %c0_i32_1 = arith.constant 0 : i32
    return %c0_i32, %c0_i32_0 : i32, i32
  }
  func.func @transform_8(%arg0: i32) -> (i32, i32) {
    %c0_i32 = arith.constant 0 : i32
    %c0_i32_0 = arith.constant 0 : i32
    %c0_i32_1 = arith.constant 0 : i32
    return %c0_i32, %c0_i32_0 : i32, i32
  }
  func.func @transform_9(%arg0: i32) -> (i32, i32) {
    %c0_i32 = arith.constant 0 : i32
    %c0_i32_0 = arith.constant 0 : i32
    %c0_i32_1 = arith.constant 0 : i32
    return %c0_i32, %c0_i32_0 : i32, i32
  }
  func.func @transform_10(%arg0: i32) -> (i32, i32) {
    %c0_i32 = arith.constant 0 : i32
    %c0_i32_0 = arith.constant 0 : i32
    return %arg0, %c0_i32 : i32, i32
  }
}

</mosaic_0001>

<sc_bundles>
// kernel: kernel.10.cloned.1.call-start
scs
__scs_entry_jumppad:
0x0: {  	(pc) =	sbr.rel $0x88, $3  }
0x1: {  	(tag) =	ssettag $0x0;
	lr =	simm.s32 $0x1  }
0x2: {  	[smem:$0x3F97] =	sst lr;
	_ =	strace $0xD0000000  }
0x3: {  	_ = 	snop  }
0x4: {  	_ = 	snop  }
0x5: {  	_ = 	snop  }
0x6: {  	_ = 	snop  }
0x7: {  	_ = 	snop  }
__scs_overlays_trampoline_lowered:
0x8: {  	[smem:$0x3FA6] =	sst s0  }
0x9: {  	[smem:$0x3FA7] =	sst s1  }
0xa: {  	[smem:$0x3FA8] =	sst s2  }
0xb: {  	[smem:$0x3FA9] =	sst s3  }
0xc: {  	[smem:$0x3FAA] =	sst s4  }
0xd: {  	[smem:$0x3FAB] =	sst s5  }
0xe: {  	[smem:$0x3FAC] =	sst s6  }
0xf: {  	[smem:$0x3FAD] =	sst s7  }
0x10: {  	[smem:$0x3FAE] =	sst s8  }
0x11: {  	[smem:$0x3FAF] =	sst s9;
	s0 =	simm.s32 @!p0 $0x0  }
0x12: {  	s1 =	sld [smem:$0x3F95];
	s0 =	simm.s32 @p0 $0x1  }
0x13: {  	[smem:$0x3FB0] =	sst s0;
	s0 =	simm.s32 @!p1 $0x0  }
0x14: {  	s2 =	sld [smem:$0x3F94];
	s0 =	simm.s32 @p1 $0x1  }
0x15: {  	[smem:$0x3FB1] =	sst s0;
	s0 =	simm.s32 @!p2 $0x0  }
0x16: {  	s3 =	sld [smem:$0x3FDB];
	s0 =	simm.s32 @p2 $0x1  }
0x17: {  	s4 =	simm.s32 $0x1BF5;
	[smem:$0x3FB3] =	sst s0  }
0x18: {  	s0 =	sld [smem:$0x3F96];
	_ =	swait.ge [sflag:s4], $0x0  }
0x19: {  	s7 =	sld [smem:$0x3F97]  }
0x1a: {  	s8 =	sadd.s32 $0xFFFFE003, lr  }
0x1b: {  	s9 =	sadd.s32 $0xFFFFFEF7, lr;
	s5 =	simm.s32 $0xFFFFFFFF;
	p2 =	slt.u32 s8, $0xFFFFF086  }
0x1c: {  	p1 =	slt.u32 s9, $0xF7A;
	s5 =	simm.s32 @!p2 $0x0  }
0x1d: {  	s5 =	simm.s32 @p1 $0x1;
	p0 =	seq.s32 s7, s2  }
0x1e: {  	s7 =	smul.u32 @!p0 $0xF7A, s2;
	p2 =	seq.s32 @!p0 s5, $0x0  }
0x1f: {  	s9 =	smul.u32 $0xF7A, s1;
	s8 =	simm.s32 @!p0 $0x1BF5;
	p2 =	por !p2, p0  }
0x20: {  	[sflag:s8] =	ssyncset.s32 @!p0 $0xFFFFF086;
	s6 =	sadd.s32 @!p0 s3, s7;
	s7 =	simm.s32 @!p0 $0x108  }
0x21: {  	s3 =	sadd.s32 s3, s9;
	s6 =	sadd.s32 @!p0 $0x88, s6;
	s7 =	simm.s32 @p2 $0x1082  }
0x22: {  	[simem:s7], [sflag:s8] =	dma.local @!p0 [hbm:s6], $0xF7A  }
0x23: {  	s9 =	sor.u32 $0xD0000000, s2;
	s6 =	simm.s32 $0x108;
	_ =	swait.ge @!p0 [sflag:s8], $0x0  }
0x24: {  	s3 =	sadd.s32 $0x88, s3;
	s6 =	simm.s32 @!p1 $0x1082;
	[sflag:s4] =	ssyncset.s32 $0xFFFFF086  }
0x25: {  	[simem:s6], [sflag:s4] =	dma.local [hbm:s3], $0xF7A  }
0x26: {  	[smem:$0x3F97] =	sst s1;
	(tag) =	ssettag s2;
	_ =	strace s9  }
0x27: {  	s1 =	sld [smem:$0x3FA7]  }
0x28: {  	s2 =	sld [smem:$0x3FA8]  }
0x29: {  	s4 =	sld [smem:$0x3FAA]  }
0x2a: {  	p0 =	seq.s32 s5, $0x0;
	s5 =	sld [smem:$0x3FAB]  }
0x2b: {  	s6 =	sld [smem:$0x3FAC]  }
0x2c: {  	s7 =	sld [smem:$0x3FAD]  }
0x2d: {  	s3 =	simm.s32 $0x108;
	s8 =	sld [smem:$0x3FAE]  }
0x2e: {  	s3 =	simm.s32 @!p0 $0x1082;
	s9 =	sld [smem:$0x3FAF]  }
0x2f: {  	lr =	sadd.s32 s0, s3;
	s0 =	sld [smem:$0x3FA6]  }
0x30: {  	s3 =	sld [smem:$0x3FA9]  }
0x31: {  	[smem:$0x3FB2] =	sst s10  }
0x32: {  	s10 =	sld [smem:$0x3FB0];
	_ =	sdelay $0x3  }
0x33: {  	p0 =	seq.s32 s10, $0x1;
	s10 =	sld [smem:$0x3FB2];
	_ =	sdelay $0x3  }
0x34: {  	[smem:$0x3FB2] =	sst s10  }
0x35: {  	s10 =	sld [smem:$0x3FB1];
	_ =	sdelay $0x3  }
0x36: {  	p1 =	seq.s32 s10, $0x1;
	s10 =	sld [smem:$0x3FB2];
	_ =	sdelay $0x3  }
0x37: {  	[smem:$0x3FB2] =	sst s10  }
0x38: {  	s10 =	sld [smem:$0x3FB3]  }
0x39: {  	_ = 	snop;
	(pc) =	sbr.ind lr, $3  }
0x3a: {  	_ = 	snop  }
0x3b: {  	_ = 	snop  }
0x3c: {  	p2 =	seq.s32 s10, $0x1;
	s10 =	sld [smem:$0x3FB2]  }
0x3d: {  	_ =	shalt  }
0x3e: {  	_ =	shalt  }
0x3f: {  	_ =	shalt  }
0x40: {  	_ =	shalt  }
0x41: {  	_ =	shalt  }
0x42: {  	_ =	shalt  }
0x43: {  	_ =	shalt  }
0x44: {  	_ =	shalt  }
0x45: {  	_ =	shalt  }
0x46: {  	_ =	shalt  }
0x47: {  	_ =	shalt  }
0x48: {  	_ =	shalt  }
0x49: {  	_ =	shalt  }
0x4a: {  	_ =	shalt  }
0x4b: {  	_ =	shalt  }
0x4c: {  	_ =	shalt  }
0x4d: {  	_ =	shalt  }
0x4e: {  	_ =	shalt  }
0x4f: {  	_ =	shalt  }
0x50: {  	_ =	shalt  }
0x51: {  	_ =	shalt  }
0x52: {  	_ =	shalt  }
0x53: {  	_ =	shalt  }
0x54: {  	_ =	shalt  }
0x55: {  	_ =	shalt  }
0x56: {  	_ =	shalt  }
0x57: {  	_ =	shalt  }
0x58: {  	_ =	shalt  }
0x59: {  	_ =	shalt  }
0x5a: {  	_ =	shalt  }
0x5b: {  	_ =	shalt  }
0x5c: {  	_ =	shalt  }
0x5d: {  	_ =	shalt  }
0x5e: {  	_ =	shalt  }
0x5f: {  	_ =	shalt  }
0x60: {  	_ =	shalt  }
0x61: {  	_ =	shalt  }
0x62: {  	_ =	shalt  }
0x63: {  	_ =	shalt  }
0x64: {  	_ =	shalt  }
0x65: {  	_ =	shalt  }
0x66: {  	_ =	shalt  }
0x67: {  	_ =	shalt  }
0x68: {  	_ =	shalt  }
0x69: {  	_ =	shalt  }
0x6a: {  	_ =	shalt  }
0x6b: {  	_ =	shalt  }
0x6c: {  	_ =	shalt  }
0x6d: {  	_ =	shalt  }
0x6e: {  	_ =	shalt  }
0x6f: {  	_ =	shalt  }
0x70: {  	_ =	shalt  }
0x71: {  	_ =	shalt  }
0x72: {  	_ =	shalt  }
0x73: {  	_ =	shalt  }
0x74: {  	_ =	shalt  }
0x75: {  	_ =	shalt  }
0x76: {  	_ =	shalt  }
0x77: {  	_ =	shalt  }
0x78: {  	_ =	shalt  }
0x79: {  	_ =	shalt  }
0x7a: {  	_ =	shalt  }
0x7b: {  	_ =	shalt  }
0x7c: {  	_ =	shalt  }
0x7d: {  	_ =	shalt  }
0x7e: {  	_ =	shalt  }
0x7f: {  	_ =	shalt  }
0x80: {  	_ =	shalt  }
0x81: {  	_ =	shalt  }
0x82: {  	_ =	shalt  }
0x83: {  	_ =	shalt  }
0x84: {  	_ =	shalt  }
0x85: {  	_ =	shalt  }
0x86: {  	_ =	shalt  }
0x87: {  	_ =	shalt  }
.Lfunc_end0:
.L_simem_size_0:
called_computation.1_lowered:
.L_overlay_start_0:
0x88: {  	s2 =	sld [smem:$0x3FD9]  }
0x89: {  	s3 =	sld [smem:$0x3FFE];
	_ =	sdelay $0x1  }
0x8a: {  	s1 =	srdreg.scid  }
0x8b: {  	s0 =	sand.u32 $0x1, s1  }
0x8c: {  	s17 =	sshll.u32 s0, $0xA;
	s2 =	sadd.s32 s3, s2  }
0x8d: {  	s2 =	sadd.s32 s2, s17  }
0x8e: {  	[smem:$0x3FBE] =	sst s2  }
0x8f: {  	_ = 	snop  }
0x90: {  	s2 =	sld [smem:$0x3FC9];
	(tm) =	ssettm $0x1  }
0x91: {  	s18 =	sld [smem:$0x3FFB];
	_ =	sdelay $0x3  }
0x92: {  	_ =	strace s18  }
0x93: {  	s3 =	sld [smem:$0x3FFC];
	_ =	sdelay $0x3  }
0x94: {  	_ =	strace s3  }
0x95: {  	s3 =	sld [smem:$0x3FFD];
	_ =	sdelay $0x3  }
0x96: {  	_ =	strace s3  }
0x97: {  	_ =	strace $0x8FFFFFFF  }
0x98: {  	s19 =	sld [smem:$0x3FDB];
	_ =	sdelay $0x1  }
0x99: {  	s4 =	simm.s32 $_scs_section_size  }
0x9a: {  	s5 =	simm.s32 $_size__tile_overlayer_lowered;
	s6 =	simm.s32 $_tile_overlayer_lowered  }
0x9b: {  	s22 =	simm.s32 $0x1BFF;
	s21 =	sshll.u32 s6, $0x1;
	s3 =	sadd.s32 s4, s19  }
0x9c: {  	s7 =	simm.s32 $0x0;
	s20 =	sshll.u32 s5, $0x1;
	s5 =	sadd.s32 s21, s3  }
0x9d: {  	[timem:s7], [sflag:s22] =	dma.local [hbm:s5], s20  }
0x9e: {  	_ =	swait.ge [sflag:s22], s20  }
0x9f: {  	s4 =	ssub.s32 $0x0, s20;
	[sflag:s22] =	ssyncset.done $0x0  }
0xa0: {  	[sflag:s22] =	ssyncadd.s32 s4;
	_ =	sdelay $0x1  }
0xa1: {  	s23 =	simm.s32 $0x1B8B  }
0xa2: {  	_ =	swait.ge [sflag:s23], $0x1  }
0xa3: {  	[sflag:s23] =	ssyncset.done $0x0  }
0xa4: {  	s25 =	simm.s32 $0x1B8E;
	s24 =	sld [smem:$0x3FFE];
	[sflag:s23] =	ssyncadd.s32 $0xFFFFFFFF  }
0xa5: {  	s26 =	simm.s32 $execute0_lowered;
	[smem:$0x3FD2] =	sst s25  }
0xa6: {  	s5 =	sshll.u32 s26, $0x1;
	_ =	strace $0x80000046;
	[dreg:$0x1] =	wrdreg $0xFFFFFFFF  }
0xa7: {  	s28 =	simm.s32 $_size_execute0_lowered;
	s3 =	sadd.s32 s3, s5;
	[dreg:$0x0] =	wrdreg $0x0  }
0xa8: {  	s5 =	sshll.u32 s28, $0x1;
	[dreg:$0x2] =	wrdreg s3  }
0xa9: {  	[dreg:$0x3] =	wrdreg s5  }
0xaa: {  	[dreg:$0x4] =	wrdreg $0xC0  }
0xab: {  	_ =	task [dreg:s7], $0x5FFFF  }
0xac: {  	[dreg:$0x1] =	wrdreg $0xFFFFFFFF  }
0xad: {  	[dreg:$0x0] =	wrdreg $0x60  }
0xae: {  	[dreg:$0x2] =	wrdreg s2  }
0xaf: {  	[dreg:$0x3] =	wrdreg s24  }
0xb0: {  	[dreg:$0x4] =	wrdreg $0x90000  }
0xb1: {  	[dreg:$0x5] =	wrdreg $0xA  }
0xb2: {  	_ =	task.clear_ibuf [dreg:s7], $0x6FFFF;
	_ =	strace $0x90000046  }
0xb3: {  	s29 =	simm.s32 $0xA;
	_ =	strace $0x80000048  }
0xb4: {  	_ =	swait.ge [sflag:s29], $0x1  }
0xb5: {  	[sflag:s29] =	ssyncadd.s32 $0xFFFFFFFF  }
0xb6: {  	_ =	strace $0x90000048  }
0xb7: {  	_ =	sfence  }
0xb8: {  	s30 =	sld [smem:$0x0];
	_ =	sdelay $0x2  }
0xb9: {  	s31 =	sshll.u32 s1, $0xD;
	s1 =	sshrl.u32 s1, $0x2  }
0xba: {  	s3 =	sand.u32 $0x4000, s31;
	s1 =	sadd.s32 s1, s30  }
0xbb: {  	s0 =	sor.u32 s3, s0;
	s1 =	sshll.u32 s1, $0x11  }
0xbc: {  	s0 =	sor.u32 s1, s0  }
0xbd: {  	s0 =	sadd.s32 $0x8F2B, s0  }
0xbe: {  	[sflag:s0] =	ssyncadd.remote.s32 $0x1  }
0xbf: {  	_ =	sfence.sel $0xFFFF  }
0xc0: {  	[dreg:$0x0] =	wrdreg $0xFFFFFFFF;
	(pc) =	sbr.abs _section_cstart, $3  }
0xc1: {  	[dreg:$0x1] =	wrdreg $0xFFFFFFFF  }
0xc2: {  	_ =	task.clear_ibuf [dreg:s7], $0x2FFFF;
	_ =	strace $0x9FFFFFFF  }
0xc3: {  	(tm) =	ssettm $0x7FFFFFFF  }
tec
execute0_lowered:
.L_overlay_start_1:
0x0: {  	(tag) =	ssettag $0x1  }
0x1: {  	s1 =	rddreg [dreg:$0x0]  }
0x2: {  	s2 =	srdreg.scid;
	s7 =	rddreg [dreg:$0x1]  }
0x3: {  	s0 =	stileid.u32;
	s3 =	rddreg [dreg:$0x2]  }
0x4: {  	s4 =	simm.s32 $0x0;
	s13 =	simm.s32 $0x2800;
	s14 =	simm.s32 $0x80  }
0x5: {  	s15 =	simm.s32 $0x5000;
	s16 =	simm.s32 $0x1;
	s17 =	simm.s32 $0x0  }
0x6: {  	s6 =	sand.u32 $0x1, s2;
	s26 =	sshll.u32 s0, $0x1;
	s8 =	smul.u32 $0x2800, s0  }
0x7: {  	[smem:$0x7FF] =	sst s4;
	s11 =	smul.u32 $0x50000, s0;
	s31 =	sshll.u32 s0, $0x6  }
0x8: {  	s2 =	sor.u32 s6, s26;
	s9 =	smul.u32 $0x28000, s6;
	s6 =	ssub.s32 $0x2, s6  }
0x9: {  	s5 =	smul.u32 $0x500, s2;
	s2 =	rddreg [dreg:$0x3];
	_ =	strace $0x80000047  }
0xa: {  	s28 =	sshrl.u32 s6, $0x1;
	s29 =	sshrl.u32 s11, $0x2;
	s8 =	sadd.s32 s8, s9  }
0xb: {  	s30 =	ssub.s32 s6, s28;
	s12 =	sadd.s32 s29, s3;
	s6 =	sor.u32 $0x1C02, s31  }
0xc: {  	s10 =	sadd.s32 s5, s7;
	s5 =	sadd.s32 $0x15E00, s7;
	s9 =	sadd.s32 s8, s7  }
0xd: {  	s11 =	sshrl.u32 s12, $0x3;
	s12 =	simm.s32 $0x2;
	s7 =	sadd.s32 $0xBE00, s10  }
0xe: {  	s8 =	sadd.s32 $0x1E00, s10;
	s9 =	sadd.s32 $0x18600, s9;
	s10 =	smax.u32 s30, $0x1  }
.LBB2_1:
0xf: {  	[spmem:s11], [sflag:s6] =	dma.local [hbm:s5], $0x2800  }
0x10: {  	_ =	swait.ge [sflag:s12], $0x2800  }
0x11: {  	[sflag:s12] =	ssyncset.done $0x0  }
0x12: {  	[sflag:s12] =	ssyncadd.s32 $0xFFFFD800  }
0x13: {  	[tilespmem:s4], [sflag:$0x2] =	stream.linear.gather [hbm4b:s7+s4], $0x2800, $0x38;
	[tilespmem:$0x1D000] =	vst v63  }
0x14: {  	_ =	swait.ge [sflag:s12], $0x2800  }
0x15: {  	[sflag:s12] =	ssyncset.done $0x0  }
0x16: {  	[sflag:s12] =	ssyncadd.s32 $0xFFFFD800  }
0x17: {  	[tilespmem:s13], [sflag:$0x2] =	stream.linear.gather [hbm4b:s8+s4], $0x2800, $0x38;
	[tilespmem:$0x1D000] =	vst v63  }
0x18: {  	_ =	swait.ge [sflag:s12], $0x2800  }
0x19: {  	[sflag:s12] =	ssyncset.done $0x0  }
0x1a: {  	[sflag:s12] =	ssyncadd.s32 $0xFFFFD800  }
0x1b: {  	s18 =	simm.s32 $0x0;
	[bflag:$0x0] =	sbarrier.arrive $0xFFFF  }
0x1c: {  	[tilespmem:s15], [sflag:$0x1] =	stream.indirect.gather [hbm4b:s1+s14], $0x80, s18, s14, $0xb8;
	[tilespmem:$0x1D000] =	vst v63  }
0x1d: {  	_ =	swait.ge [sflag:s16], $0x4000  }
0x1e: {  	[sflag:s16] =	ssyncset.done $0x0  }
0x1f: {  	s31 =	simm.s32 $0x2800;
	[sflag:s16] =	ssyncadd.s32 $0xFFFFC000  }
0x20: {  	[spmem:s3] =	stream.indirect.scatter.add.f32 [tilespmem:s15], [sflag:$0x2], $0x80, s31, s14, $0xb8;
	[tilespmem:$0x1D000] =	vst v63  }
0x21: {  	_ =	swait.ge [sflag:s12], $0x4000  }
0x22: {  	s19 =	simm.s32 $0x400;
	s18 =	simm.s32 $0x200;
	[sflag:s12] =	ssyncset.done $0x0  }
.LBB2_2:
0x23: {  	s20 =	sshra.s32 s18, $0x2  }
0x24: {  	[sflag:s12] =	ssyncadd.s32 $0xFFFFC000;
	s18 =	smov.u32 s19;
	s21 =	sadd.s32 $0x200, s19  }
0x25: {  	[tilespmem:s15], [sflag:$0x1] =	stream.indirect.gather [hbm4b:s1+s14], $0x80, s20, s14, $0xb8;
	[tilespmem:$0x1D000] =	vst v63  }
0x26: {  	p0 =	sne.s32 s19, $0x9E00;
	_ =	swait.ge [sflag:s16], $0x4000  }
.Ltmp0:
0x27: {  	[sflag:s16] =	ssyncset.done $0x0;
	(pc) =	sbr.rel @p0 .LBB2_2-.Ltmp0, $4  }
0x28: {  	s19 =	sadd.s32 $0x2800, s20;
	[sflag:s16] =	ssyncadd.s32 $0xFFFFC000  }
0x29: {  	[spmem:s3] =	stream.indirect.scatter.add.f32 [tilespmem:s15], [sflag:$0x2], $0x80, s19, s14, $0xb8;
	[tilespmem:$0x1D000] =	vst v63  }
0x2a: {  	_ =	swait.ge [sflag:s12], $0x4000  }
0x2b: {  	s19 =	smov.u32 s21;
	[sflag:s12] =	ssyncset.done $0x0  }
0x2c: {  	s18 =	sshra.s32 s18, $0x2;
	[sflag:s12] =	ssyncadd.s32 $0xFFFFC000  }
0x2d: {  	[tilespmem:s15], [sflag:$0x1] =	stream.indirect.gather [hbm4b:s1+s14], $0x80, s18, s14, $0xb8;
	[tilespmem:$0x1D000] =	vst v63  }
0x2e: {  	_ =	swait.ge [sflag:s16], $0x4000  }
0x2f: {  	[sflag:s16] =	ssyncset.done $0x0  }
0x30: {  	s18 =	sadd.s32 $0x2800, s18;
	[sflag:s16] =	ssyncadd.s32 $0xFFFFC000  }
0x31: {  	[spmem:s3] =	stream.indirect.scatter.add.f32 [tilespmem:s15], [sflag:$0x2], $0x80, s18, s14, $0xb8;
	[tilespmem:$0x1D000] =	vst v63  }
0x32: {  	_ =	swait.ge [sflag:s12], $0x4000  }
0x33: {  	s17 =	sadd.s32 $0x1, s17;
	[sflag:s12] =	ssyncset.done $0x0  }
0x34: {  	p0 =	sne.s32 s17, s10;
	[sflag:s12] =	ssyncadd.s32 $0xFFFFC000  }
.Ltmp1:
0x35: {  	[bflag:$0x0] =	sbarrier.arrive $0xFFFF;
	(pc) =	sbr.rel @p0 .LBB2_1-.Ltmp1, $4  }
0x36: {  	[hbm:s9], [sflag:s6] =	dma.local [spmem:s11], $0x2800  }
0x37: {  	_ =	swait.ge [sflag:s12], $0x2800  }
0x38: {  	[sflag:s12] =	ssyncset.done $0x0  }
0x39: {  	[sflag:s12] =	ssyncadd.s32 $0xFFFFD800  }
0x3a: {  	_ =	sfence.sel $0x180000  }
0x3b: {  	[bflag:$0x0] =	sbarrier.arrive $0xFFFF  }
0x3c: {  	p0 =	sne.s32 s0, $0x0;
	_ =	strace $0x90000047  }
0x3d: {  	s0 =	sadd.s32 @!p0 $0x100000, s2;
	[bflag:$0x2] =	sbarrier.arrive $0xFFFF  }
0x3e: {  	[sflag:s0] =	ssyncadd.tile.s32 @!p0 $0x1;
	_ =	shalt  }
.Lfunc_end2:
_tile_overlayer_lowered:
.L_overlay_start_2:
0x3f: {  	(tag) =	ssettag $0x2  }
0x40: {  	s0 =	rddreg [dreg:$0x0];
	s2 =	stileid.u32  }
0x41: {  	s1 =	rddreg [dreg:$0x1];
	p0 =	sne.s32 s2, $0x0  }
0x42: {  	s3 =	rddreg [dreg:$0x2];
	[bflag:$0x3] =	sbarrier.arrive $0xFFFF;
	s2 =	simm.s32 @!p0 $0x1C02  }
0x43: {  	[timem:s3], [sflag:s2] =	dma.local @!p0 [hbm:s0], s1  }
0x44: {  	s0 =	simm.s32 @!p0 $0x2  }
0x45: {  	_ =	swait.ge @!p0 [sflag:s0], s1  }
0x46: {  	s1 =	ssub.s32 @!p0 $0x0, s1;
	[sflag:s0] =	ssyncset.done @!p0 $0x0  }
0x47: {  	[sflag:s0] =	ssyncadd.s32 @!p0 s1  }
0x48: {  	[bflag:$0x3] =	sbarrier.arrive $0xFFFF  }
0x49: {  	_ =	shalt  }

// kernel: kernel.13.cloned.1.call-start
scs
__scs_entry_jumppad:
0x0: {  	(pc) =	sbr.rel $0x88, $3  }
0x1: {  	(tag) =	ssettag $0x0;
	lr =	simm.s32 $0x1  }
0x2: {  	[smem:$0x3F97] =	sst lr;
	_ =	strace $0xD0000000  }
0x3: {  	_ = 	snop  }
0x4: {  	_ = 	snop  }
0x5: {  	_ = 	snop  }
0x6: {  	_ = 	snop  }
0x7: {  	_ = 	snop  }
__scs_overlays_trampoline_lowered:
0x8: {  	[smem:$0x3FA6] =	sst s0  }
0x9: {  	[smem:$0x3FA7] =	sst s1  }
0xa: {  	[smem:$0x3FA8] =	sst s2  }
0xb: {  	[smem:$0x3FA9] =	sst s3  }
0xc: {  	[smem:$0x3FAA] =	sst s4  }
0xd: {  	[smem:$0x3FAB] =	sst s5  }
0xe: {  	[smem:$0x3FAC] =	sst s6  }
0xf: {  	[smem:$0x3FAD] =	sst s7  }
0x10: {  	[smem:$0x3FAE] =	sst s8  }
0x11: {  	[smem:$0x3FAF] =	sst s9;
	s0 =	simm.s32 @!p0 $0x0  }
0x12: {  	s1 =	sld [smem:$0x3F95];
	s0 =	simm.s32 @p0 $0x1  }
0x13: {  	[smem:$0x3FB0] =	sst s0;
	s0 =	simm.s32 @!p1 $0x0  }
0x14: {  	s2 =	sld [smem:$0x3F94];
	s0 =	simm.s32 @p1 $0x1  }
0x15: {  	[smem:$0x3FB1] =	sst s0;
	s0 =	simm.s32 @!p2 $0x0  }
0x16: {  	s3 =	sld [smem:$0x3FDB];
	s0 =	simm.s32 @p2 $0x1  }
0x17: {  	s4 =	simm.s32 $0x1BF5;
	[smem:$0x3FB3] =	sst s0  }
0x18: {  	s0 =	sld [smem:$0x3F96];
	_ =	swait.ge [sflag:s4], $0x0  }
0x19: {  	s7 =	sld [smem:$0x3F97]  }
0x1a: {  	s8 =	sadd.s32 $0xFFFFE003, lr  }
0x1b: {  	s9 =	sadd.s32 $0xFFFFFEF7, lr;
	s5 =	simm.s32 $0xFFFFFFFF;
	p2 =	slt.u32 s8, $0xFFFFF086  }
0x1c: {  	p1 =	slt.u32 s9, $0xF7A;
	s5 =	simm.s32 @!p2 $0x0  }
0x1d: {  	s5 =	simm.s32 @p1 $0x1;
	p0 =	seq.s32 s7, s2  }
0x1e: {  	s7 =	smul.u32 @!p0 $0xF7A, s2;
	p2 =	seq.s32 @!p0 s5, $0x0  }
0x1f: {  	s9 =	smul.u32 $0xF7A, s1;
	s8 =	simm.s32 @!p0 $0x1BF5;
	p2 =	por !p2, p0  }
0x20: {  	[sflag:s8] =	ssyncset.s32 @!p0 $0xFFFFF086;
	s6 =	sadd.s32 @!p0 s3, s7;
	s7 =	simm.s32 @!p0 $0x108  }
0x21: {  	s3 =	sadd.s32 s3, s9;
	s6 =	sadd.s32 @!p0 $0x88, s6;
	s7 =	simm.s32 @p2 $0x1082  }
0x22: {  	[simem:s7], [sflag:s8] =	dma.local @!p0 [hbm:s6], $0xF7A  }
0x23: {  	s9 =	sor.u32 $0xD0000000, s2;
	s6 =	simm.s32 $0x108;
	_ =	swait.ge @!p0 [sflag:s8], $0x0  }
0x24: {  	s3 =	sadd.s32 $0x88, s3;
	s6 =	simm.s32 @!p1 $0x1082;
	[sflag:s4] =	ssyncset.s32 $0xFFFFF086  }
0x25: {  	[simem:s6], [sflag:s4] =	dma.local [hbm:s3], $0xF7A  }
0x26: {  	[smem:$0x3F97] =	sst s1;
	(tag) =	ssettag s2;
	_ =	strace s9  }
0x27: {  	s1 =	sld [smem:$0x3FA7]  }
0x28: {  	s2 =	sld [smem:$0x3FA8]  }
0x29: {  	s4 =	sld [smem:$0x3FAA]  }
0x2a: {  	p0 =	seq.s32 s5, $0x0;
	s5 =	sld [smem:$0x3FAB]  }
0x2b: {  	s6 =	sld [smem:$0x3FAC]  }
0x2c: {  	s7 =	sld [smem:$0x3FAD]  }
0x2d: {  	s3 =	simm.s32 $0x108;
	s8 =	sld [smem:$0x3FAE]  }
0x2e: {  	s3 =	simm.s32 @!p0 $0x1082;
	s9 =	sld [smem:$0x3FAF]  }
0x2f: {  	lr =	sadd.s32 s0, s3;
	s0 =	sld [smem:$0x3FA6]  }
0x30: {  	s3 =	sld [smem:$0x3FA9]  }
0x31: {  	[smem:$0x3FB2] =	sst s10  }
0x32: {  	s10 =	sld [smem:$0x3FB0];
	_ =	sdelay $0x3  }
0x33: {  	p0 =	seq.s32 s10, $0x1;
	s10 =	sld [smem:$0x3FB2];
	_ =	sdelay $0x3  }
0x34: {  	[smem:$0x3FB2] =	sst s10  }
0x35: {  	s10 =	sld [smem:$0x3FB1];
	_ =	sdelay $0x3  }
0x36: {  	p1 =	seq.s32 s10, $0x1;
	s10 =	sld [smem:$0x3FB2];
	_ =	sdelay $0x3  }
0x37: {  	[smem:$0x3FB2] =	sst s10  }
0x38: {  	s10 =	sld [smem:$0x3FB3]  }
0x39: {  	_ = 	snop;
	(pc) =	sbr.ind lr, $3  }
0x3a: {  	_ = 	snop  }
0x3b: {  	_ = 	snop  }
0x3c: {  	p2 =	seq.s32 s10, $0x1;
	s10 =	sld [smem:$0x3FB2]  }
0x3d: {  	_ =	shalt  }
0x3e: {  	_ =	shalt  }
0x3f: {  	_ =	shalt  }
0x40: {  	_ =	shalt  }
0x41: {  	_ =	shalt  }
0x42: {  	_ =	shalt  }
0x43: {  	_ =	shalt  }
0x44: {  	_ =	shalt  }
0x45: {  	_ =	shalt  }
0x46: {  	_ =	shalt  }
0x47: {  	_ =	shalt  }
0x48: {  	_ =	shalt  }
0x49: {  	_ =	shalt  }
0x4a: {  	_ =	shalt  }
0x4b: {  	_ =	shalt  }
0x4c: {  	_ =	shalt  }
0x4d: {  	_ =	shalt  }
0x4e: {  	_ =	shalt  }
0x4f: {  	_ =	shalt  }
0x50: {  	_ =	shalt  }
0x51: {  	_ =	shalt  }
0x52: {  	_ =	shalt  }
0x53: {  	_ =	shalt  }
0x54: {  	_ =	shalt  }
0x55: {  	_ =	shalt  }
0x56: {  	_ =	shalt  }
0x57: {  	_ =	shalt  }
0x58: {  	_ =	shalt  }
0x59: {  	_ =	shalt  }
0x5a: {  	_ =	shalt  }
0x5b: {  	_ =	shalt  }
0x5c: {  	_ =	shalt  }
0x5d: {  	_ =	shalt  }
0x5e: {  	_ =	shalt  }
0x5f: {  	_ =	shalt  }
0x60: {  	_ =	shalt  }
0x61: {  	_ =	shalt  }
0x62: {  	_ =	shalt  }
0x63: {  	_ =	shalt  }
0x64: {  	_ =	shalt  }
0x65: {  	_ =	shalt  }
0x66: {  	_ =	shalt  }
0x67: {  	_ =	shalt  }
0x68: {  	_ =	shalt  }
0x69: {  	_ =	shalt  }
0x6a: {  	_ =	shalt  }
0x6b: {  	_ =	shalt  }
0x6c: {  	_ =	shalt  }
0x6d: {  	_ =	shalt  }
0x6e: {  	_ =	shalt  }
0x6f: {  	_ =	shalt  }
0x70: {  	_ =	shalt  }
0x71: {  	_ =	shalt  }
0x72: {  	_ =	shalt  }
0x73: {  	_ =	shalt  }
0x74: {  	_ =	shalt  }
0x75: {  	_ =	shalt  }
0x76: {  	_ =	shalt  }
0x77: {  	_ =	shalt  }
0x78: {  	_ =	shalt  }
0x79: {  	_ =	shalt  }
0x7a: {  	_ =	shalt  }
0x7b: {  	_ =	shalt  }
0x7c: {  	_ =	shalt  }
0x7d: {  	_ =	shalt  }
0x7e: {  	_ =	shalt  }
0x7f: {  	_ =	shalt  }
0x80: {  	_ =	shalt  }
0x81: {  	_ =	shalt  }
0x82: {  	_ =	shalt  }
0x83: {  	_ =	shalt  }
0x84: {  	_ =	shalt  }
0x85: {  	_ =	shalt  }
0x86: {  	_ =	shalt  }
0x87: {  	_ =	shalt  }
.Lfunc_end0:
.L_simem_size_0:
called_computation.2_lowered:
.L_overlay_start_0:
0x88: {  	s2 =	sld [smem:$0x3FD9]  }
0x89: {  	s3 =	sld [smem:$0x3FFE];
	_ =	sdelay $0x1  }
0x8a: {  	s1 =	srdreg.scid  }
0x8b: {  	s0 =	sand.u32 $0x1, s1  }
0x8c: {  	s16 =	sshll.u32 s0, $0xA;
	s2 =	sadd.s32 s3, s2  }
0x8d: {  	s2 =	sadd.s32 s2, s16  }
0x8e: {  	[smem:$0x3FBE] =	sst s2  }
0x8f: {  	_ = 	snop  }
0x90: {  	(tm) =	ssettm $0x1  }
0x91: {  	s17 =	sld [smem:$0x3FFB];
	_ =	sdelay $0x3  }
0x92: {  	_ =	strace s17  }
0x93: {  	s2 =	sld [smem:$0x3FFC];
	_ =	sdelay $0x3  }
0x94: {  	_ =	strace s2  }
0x95: {  	s2 =	sld [smem:$0x3FFD];
	_ =	sdelay $0x3  }
0x96: {  	_ =	strace s2  }
0x97: {  	_ =	strace $0x8FFFFFFF  }
0x98: {  	s18 =	sld [smem:$0x3FDB];
	_ =	sdelay $0x1  }
0x99: {  	s19 =	simm.s32 $_scs_section_size  }
0x9a: {  	s4 =	simm.s32 $_size__tile_overlayer_lowered;
	s5 =	simm.s32 $_tile_overlayer_lowered  }
0x9b: {  	s22 =	simm.s32 $0x1BFF;
	s21 =	sshll.u32 s5, $0x1;
	s2 =	sadd.s32 s19, s18  }
0x9c: {  	s6 =	simm.s32 $0x0;
	s20 =	sshll.u32 s4, $0x1;
	s4 =	sadd.s32 s21, s2  }
0x9d: {  	[timem:s6], [sflag:s22] =	dma.local [hbm:s4], s20  }
0x9e: {  	_ =	swait.ge [sflag:s22], s20  }
0x9f: {  	s3 =	ssub.s32 $0x0, s20;
	[sflag:s22] =	ssyncset.done $0x0  }
0xa0: {  	[sflag:s22] =	ssyncadd.s32 s3;
	_ =	sdelay $0x1  }
0xa1: {  	s23 =	simm.s32 $0x1B8B  }
0xa2: {  	_ =	swait.ge [sflag:s23], $0x1  }
0xa3: {  	[sflag:s23] =	ssyncset.done $0x0  }
0xa4: {  	s25 =	simm.s32 $0x1B8E;
	s24 =	sld [smem:$0x3FFE];
	[sflag:s23] =	ssyncadd.s32 $0xFFFFFFFF  }
0xa5: {  	s26 =	simm.s32 $execute0_lowered;
	[smem:$0x3FD2] =	sst s25  }
0xa6: {  	s4 =	sshll.u32 s26, $0x1;
	_ =	strace $0x8000004C;
	[dreg:$0x1] =	wrdreg $0xFFFFFFFF  }
0xa7: {  	s28 =	simm.s32 $_size_execute0_lowered;
	s2 =	sadd.s32 s2, s4;
	[dreg:$0x0] =	wrdreg $0x0  }
0xa8: {  	s4 =	sshll.u32 s28, $0x1;
	[dreg:$0x2] =	wrdreg s2  }
0xa9: {  	[dreg:$0x3] =	wrdreg s4  }
0xaa: {  	[dreg:$0x4] =	wrdreg $0xC0  }
0xab: {  	_ =	task [dreg:s6], $0x5FFFF  }
0xac: {  	[dreg:$0x1] =	wrdreg $0xFFFFFFFF  }
0xad: {  	[dreg:$0x0] =	wrdreg $0x60  }
0xae: {  	[dreg:$0x2] =	wrdreg s24  }
0xaf: {  	[dreg:$0x3] =	wrdreg $0x90000  }
0xb0: {  	[dreg:$0x4] =	wrdreg $0x9  }
0xb1: {  	_ =	task.clear_ibuf [dreg:s6], $0x5FFFF;
	_ =	strace $0x9000004C  }
0xb2: {  	s29 =	simm.s32 $0x9;
	_ =	strace $0x8000004E  }
0xb3: {  	_ =	swait.ge [sflag:s29], $0x1  }
0xb4: {  	[sflag:s29] =	ssyncadd.s32 $0xFFFFFFFF  }
0xb5: {  	_ =	strace $0x9000004E  }
0xb6: {  	_ =	sfence  }
0xb7: {  	s30 =	sld [smem:$0x0];
	_ =	sdelay $0x2  }
0xb8: {  	s31 =	sshll.u32 s1, $0xD;
	s1 =	sshrl.u32 s1, $0x2  }
0xb9: {  	s3 =	sand.u32 $0x4000, s31;
	s1 =	sadd.s32 s1, s30  }
0xba: {  	s0 =	sor.u32 s3, s0;
	s1 =	sshll.u32 s1, $0x11  }
0xbb: {  	s0 =	sor.u32 s1, s0  }
0xbc: {  	s0 =	sadd.s32 $0x8F2B, s0  }
0xbd: {  	[sflag:s0] =	ssyncadd.remote.s32 $0x1  }
0xbe: {  	_ =	sfence.sel $0xFFFF  }
0xbf: {  	[dreg:$0x0] =	wrdreg $0xFFFFFFFF;
	(pc) =	sbr.abs _section_cstart, $3  }
0xc0: {  	[dreg:$0x1] =	wrdreg $0xFFFFFFFF  }
0xc1: {  	_ =	task.clear_ibuf [dreg:s6], $0x2FFFF;
	_ =	strace $0x9FFFFFFF  }
0xc2: {  	(tm) =	ssettm $0x7FFFFFFF  }
0xc3: {  	_ =	shalt  }
tec
execute0_lowered:
.L_overlay_start_1:
0x0: {  	(tag) =	ssettag $0x1  }
0x1: {  	s1 =	srdreg.scid;
	s6 =	rddreg [dreg:$0x0]  }
0x2: {  	s0 =	stileid.u32;
	s2 =	rddreg [dreg:$0x1];
	s3 =	simm.s32 $0x0  }
0x3: {  	s13 =	simm.s32 $0x2800;
	s14 =	simm.s32 $0x80;
	s15 =	simm.s32 $0x5000  }
0x4: {  	s16 =	simm.s32 $0x1;
	s17 =	simm.s32 $0x0;
	s7 =	sand.u32 $0x1, s1  }
0x5: {  	s26 =	sshll.u32 s0, $0x1;
	s1 =	rddreg [dreg:$0x2];
	s8 =	smul.u32 $0x2800, s0  }
0x6: {  	[smem:$0x7FF] =	sst s3;
	s11 =	smul.u32 $0x50000, s0;
	s31 =	sshll.u32 s0, $0x6  }
0x7: {  	s4 =	sor.u32 s7, s26;
	_ =	strace $0x8000004D;
	s9 =	smul.u32 $0x28000, s7  }
0x8: {  	s7 =	ssub.s32 $0x2, s7;
	s5 =	smul.u32 $0x500, s4;
	s4 =	sadd.s32 $0x18600, s6  }
0x9: {  	s28 =	sshrl.u32 s7, $0x1;
	s29 =	sshrl.u32 s11, $0x2;
	s8 =	sadd.s32 s8, s9  }
0xa: {  	s30 =	ssub.s32 s7, s28;
	s12 =	sadd.s32 s29, s2;
	s10 =	sadd.s32 s5, s6  }
0xb: {  	s5 =	sadd.s32 $0x15E00, s6;
	s9 =	sadd.s32 s8, s6;
	s6 =	sor.u32 $0x1C02, s31  }
0xc: {  	s11 =	sshrl.u32 s12, $0x3;
	s12 =	simm.s32 $0x2;
	s7 =	sadd.s32 $0xBE00, s10  }
0xd: {  	s8 =	sadd.s32 $0x1E00, s10;
	s9 =	sadd.s32 $0xC2600, s9;
	s10 =	smax.u32 s30, $0x1  }
.LBB2_1:
0xe: {  	[spmem:s11], [sflag:s6] =	dma.local [hbm:s5], $0x2800  }
0xf: {  	_ =	swait.ge [sflag:s12], $0x2800  }
0x10: {  	[sflag:s12] =	ssyncset.done $0x0  }
0x11: {  	[sflag:s12] =	ssyncadd.s32 $0xFFFFD800  }
0x12: {  	[tilespmem:s3], [sflag:$0x2] =	stream.linear.gather [hbm4b:s7+s3], $0x2800, $0x38;
	[tilespmem:$0x1D000] =	vst v63  }
0x13: {  	_ =	swait.ge [sflag:s12], $0x2800  }
0x14: {  	[sflag:s12] =	ssyncset.done $0x0  }
0x15: {  	[sflag:s12] =	ssyncadd.s32 $0xFFFFD800  }
0x16: {  	[tilespmem:s13], [sflag:$0x2] =	stream.linear.gather [hbm4b:s8+s3], $0x2800, $0x38;
	[tilespmem:$0x1D000] =	vst v63  }
0x17: {  	_ =	swait.ge [sflag:s12], $0x2800  }
0x18: {  	[sflag:s12] =	ssyncset.done $0x0  }
0x19: {  	[sflag:s12] =	ssyncadd.s32 $0xFFFFD800  }
0x1a: {  	s18 =	simm.s32 $0x0;
	[bflag:$0x0] =	sbarrier.arrive $0xFFFF  }
0x1b: {  	[tilespmem:s15], [sflag:$0x1] =	stream.indirect.gather [hbm4b:s4+s14], $0x80, s18, s14, $0xb8;
	[tilespmem:$0x1D000] =	vst v63  }
0x1c: {  	_ =	swait.ge [sflag:s16], $0x4000  }
0x1d: {  	[sflag:s16] =	ssyncset.done $0x0  }
0x1e: {  	s31 =	simm.s32 $0x2800;
	[sflag:s16] =	ssyncadd.s32 $0xFFFFC000  }
0x1f: {  	[spmem:s2] =	stream.indirect.scatter.add.f32 [tilespmem:s15], [sflag:$0x2], $0x80, s31, s14, $0xb8;
	[tilespmem:$0x1D000] =	vst v63  }
0x20: {  	_ =	swait.ge [sflag:s12], $0x4000  }
0x21: {  	s19 =	simm.s32 $0x400;
	s18 =	simm.s32 $0x200;
	[sflag:s12] =	ssyncset.done $0x0  }
.LBB2_2:
0x22: {  	s20 =	sshra.s32 s18, $0x2  }
0x23: {  	[sflag:s12] =	ssyncadd.s32 $0xFFFFC000;
	s18 =	smov.u32 s19;
	s21 =	sadd.s32 $0x200, s19  }
0x24: {  	[tilespmem:s15], [sflag:$0x1] =	stream.indirect.gather [hbm4b:s4+s14], $0x80, s20, s14, $0xb8;
	[tilespmem:$0x1D000] =	vst v63  }
0x25: {  	p0 =	sne.s32 s19, $0x9E00;
	_ =	swait.ge [sflag:s16], $0x4000  }
.Ltmp0:
0x26: {  	[sflag:s16] =	ssyncset.done $0x0;
	(pc) =	sbr.rel @p0 .LBB2_2-.Ltmp0, $4  }
0x27: {  	s19 =	sadd.s32 $0x2800, s20;
	[sflag:s16] =	ssyncadd.s32 $0xFFFFC000  }
0x28: {  	[spmem:s2] =	stream.indirect.scatter.add.f32 [tilespmem:s15], [sflag:$0x2], $0x80, s19, s14, $0xb8;
	[tilespmem:$0x1D000] =	vst v63  }
0x29: {  	_ =	swait.ge [sflag:s12], $0x4000  }
0x2a: {  	s19 =	smov.u32 s21;
	[sflag:s12] =	ssyncset.done $0x0  }
0x2b: {  	s18 =	sshra.s32 s18, $0x2;
	[sflag:s12] =	ssyncadd.s32 $0xFFFFC000  }
0x2c: {  	[tilespmem:s15], [sflag:$0x1] =	stream.indirect.gather [hbm4b:s4+s14], $0x80, s18, s14, $0xb8;
	[tilespmem:$0x1D000] =	vst v63  }
0x2d: {  	_ =	swait.ge [sflag:s16], $0x4000  }
0x2e: {  	[sflag:s16] =	ssyncset.done $0x0  }
0x2f: {  	s18 =	sadd.s32 $0x2800, s18;
	[sflag:s16] =	ssyncadd.s32 $0xFFFFC000  }
0x30: {  	[spmem:s2] =	stream.indirect.scatter.add.f32 [tilespmem:s15], [sflag:$0x2], $0x80, s18, s14, $0xb8;
	[tilespmem:$0x1D000] =	vst v63  }
0x31: {  	_ =	swait.ge [sflag:s12], $0x4000  }
0x32: {  	s17 =	sadd.s32 $0x1, s17;
	[sflag:s12] =	ssyncset.done $0x0  }
0x33: {  	p0 =	sne.s32 s17, s10;
	[sflag:s12] =	ssyncadd.s32 $0xFFFFC000  }
.Ltmp1:
0x34: {  	[bflag:$0x0] =	sbarrier.arrive $0xFFFF;
	(pc) =	sbr.rel @p0 .LBB2_1-.Ltmp1, $4  }
0x35: {  	[hbm:s9], [sflag:s6] =	dma.local [spmem:s11], $0x2800  }
0x36: {  	_ =	swait.ge [sflag:s12], $0x2800  }
0x37: {  	[sflag:s12] =	ssyncset.done $0x0  }
0x38: {  	[sflag:s12] =	ssyncadd.s32 $0xFFFFD800  }
0x39: {  	_ =	sfence.sel $0x180000  }
0x3a: {  	[bflag:$0x0] =	sbarrier.arrive $0xFFFF  }
0x3b: {  	p0 =	sne.s32 s0, $0x0;
	_ =	strace $0x9000004D  }
0x3c: {  	s0 =	sadd.s32 @!p0 $0x100000, s1;
	[bflag:$0x2] =	sbarrier.arrive $0xFFFF  }
0x3d: {  	[sflag:s0] =	ssyncadd.tile.s32 @!p0 $0x1;
	_ =	shalt  }
.Lfunc_end2:
_tile_overlayer_lowered:
.L_overlay_start_2:
0x3e: {  	(tag) =	ssettag $0x2  }
0x3f: {  	s0 =	rddreg [dreg:$0x0];
	s2 =	stileid.u32  }
0x40: {  	s1 =	rddreg [dreg:$0x1];
	p0 =	sne.s32 s2, $0x0  }
0x41: {  	s3 =	rddreg [dreg:$0x2];
	[bflag:$0x3] =	sbarrier.arrive $0xFFFF;
	s2 =	simm.s32 @!p0 $0x1C02  }
0x42: {  	[timem:s3], [sflag:s2] =	dma.local @!p0 [hbm:s0], s1  }
0x43: {  	s0 =	simm.s32 @!p0 $0x2  }
0x44: {  	_ =	swait.ge @!p0 [sflag:s0], s1  }
0x45: {  	s1 =	ssub.s32 @!p0 $0x0, s1;
	[sflag:s0] =	ssyncset.done @!p0 $0x0  }
0x46: {  	[sflag:s0] =	ssyncadd.s32 @!p0 s1  }
0x47: {  	[bflag:$0x3] =	sbarrier.arrive $0xFFFF  }
0x48: {  	_ =	shalt  }

// kernel: kernel.7.cloned.1.call-start
scs
__scs_entry_jumppad:
0x0: {  	(pc) =	sbr.rel $0x88, $3  }
0x1: {  	(tag) =	ssettag $0x0;
	lr =	simm.s32 $0x1  }
0x2: {  	[smem:$0x3F97] =	sst lr;
	_ =	strace $0xD0000000  }
0x3: {  	_ = 	snop  }
0x4: {  	_ = 	snop  }
0x5: {  	_ = 	snop  }
0x6: {  	_ = 	snop  }
0x7: {  	_ = 	snop  }
__scs_overlays_trampoline_lowered:
0x8: {  	[smem:$0x3FA6] =	sst s0  }
0x9: {  	[smem:$0x3FA7] =	sst s1  }
0xa: {  	[smem:$0x3FA8] =	sst s2  }
0xb: {  	[smem:$0x3FA9] =	sst s3  }
0xc: {  	[smem:$0x3FAA] =	sst s4  }
0xd: {  	[smem:$0x3FAB] =	sst s5  }
0xe: {  	[smem:$0x3FAC] =	sst s6  }
0xf: {  	[smem:$0x3FAD] =	sst s7  }
0x10: {  	[smem:$0x3FAE] =	sst s8  }
0x11: {  	[smem:$0x3FAF] =	sst s9;
	s0 =	simm.s32 @!p0 $0x0  }
0x12: {  	s1 =	sld [smem:$0x3F95];
	s0 =	simm.s32 @p0 $0x1  }
0x13: {  	[smem:$0x3FB0] =	sst s0;
	s0 =	simm.s32 @!p1 $0x0  }
0x14: {  	s2 =	sld [smem:$0x3F94];
	s0 =	simm.s32 @p1 $0x1  }
0x15: {  	[smem:$0x3FB1] =	sst s0;
	s0 =	simm.s32 @!p2 $0x0  }
0x16: {  	s3 =	sld [smem:$0x3FDB];
	s0 =	simm.s32 @p2 $0x1  }
0x17: {  	s4 =	simm.s32 $0x1BF5;
	[smem:$0x3FB3] =	sst s0  }
0x18: {  	s0 =	sld [smem:$0x3F96];
	_ =	swait.ge [sflag:s4], $0x0  }
0x19: {  	s7 =	sld [smem:$0x3F97]  }
0x1a: {  	s8 =	sadd.s32 $0xFFFFE003, lr  }
0x1b: {  	s9 =	sadd.s32 $0xFFFFFEF7, lr;
	s5 =	simm.s32 $0xFFFFFFFF;
	p2 =	slt.u32 s8, $0xFFFFF086  }
0x1c: {  	p1 =	slt.u32 s9, $0xF7A;
	s5 =	simm.s32 @!p2 $0x0  }
0x1d: {  	s5 =	simm.s32 @p1 $0x1;
	p0 =	seq.s32 s7, s2  }
0x1e: {  	s7 =	smul.u32 @!p0 $0xF7A, s2;
	p2 =	seq.s32 @!p0 s5, $0x0  }
0x1f: {  	s9 =	smul.u32 $0xF7A, s1;
	s8 =	simm.s32 @!p0 $0x1BF5;
	p2 =	por !p2, p0  }
0x20: {  	[sflag:s8] =	ssyncset.s32 @!p0 $0xFFFFF086;
	s6 =	sadd.s32 @!p0 s3, s7;
	s7 =	simm.s32 @!p0 $0x108  }
0x21: {  	s3 =	sadd.s32 s3, s9;
	s6 =	sadd.s32 @!p0 $0x88, s6;
	s7 =	simm.s32 @p2 $0x1082  }
0x22: {  	[simem:s7], [sflag:s8] =	dma.local @!p0 [hbm:s6], $0xF7A  }
0x23: {  	s9 =	sor.u32 $0xD0000000, s2;
	s6 =	simm.s32 $0x108;
	_ =	swait.ge @!p0 [sflag:s8], $0x0  }
0x24: {  	s3 =	sadd.s32 $0x88, s3;
	s6 =	simm.s32 @!p1 $0x1082;
	[sflag:s4] =	ssyncset.s32 $0xFFFFF086  }
0x25: {  	[simem:s6], [sflag:s4] =	dma.local [hbm:s3], $0xF7A  }
0x26: {  	[smem:$0x3F97] =	sst s1;
	(tag) =	ssettag s2;
	_ =	strace s9  }
0x27: {  	s1 =	sld [smem:$0x3FA7]  }
0x28: {  	s2 =	sld [smem:$0x3FA8]  }
0x29: {  	s4 =	sld [smem:$0x3FAA]  }
0x2a: {  	p0 =	seq.s32 s5, $0x0;
	s5 =	sld [smem:$0x3FAB]  }
0x2b: {  	s6 =	sld [smem:$0x3FAC]  }
0x2c: {  	s7 =	sld [smem:$0x3FAD]  }
0x2d: {  	s3 =	simm.s32 $0x108;
	s8 =	sld [smem:$0x3FAE]  }
0x2e: {  	s3 =	simm.s32 @!p0 $0x1082;
	s9 =	sld [smem:$0x3FAF]  }
0x2f: {  	lr =	sadd.s32 s0, s3;
	s0 =	sld [smem:$0x3FA6]  }
0x30: {  	s3 =	sld [smem:$0x3FA9]  }
0x31: {  	[smem:$0x3FB2] =	sst s10  }
0x32: {  	s10 =	sld [smem:$0x3FB0];
	_ =	sdelay $0x3  }
0x33: {  	p0 =	seq.s32 s10, $0x1;
	s10 =	sld [smem:$0x3FB2];
	_ =	sdelay $0x3  }
0x34: {  	[smem:$0x3FB2] =	sst s10  }
0x35: {  	s10 =	sld [smem:$0x3FB1];
	_ =	sdelay $0x3  }
0x36: {  	p1 =	seq.s32 s10, $0x1;
	s10 =	sld [smem:$0x3FB2];
	_ =	sdelay $0x3  }
0x37: {  	[smem:$0x3FB2] =	sst s10  }
0x38: {  	s10 =	sld [smem:$0x3FB3]  }
0x39: {  	_ = 	snop;
	(pc) =	sbr.ind lr, $3  }
0x3a: {  	_ = 	snop  }
0x3b: {  	_ = 	snop  }
0x3c: {  	p2 =	seq.s32 s10, $0x1;
	s10 =	sld [smem:$0x3FB2]  }
0x3d: {  	_ =	shalt  }
0x3e: {  	_ =	shalt  }
0x3f: {  	_ =	shalt  }
0x40: {  	_ =	shalt  }
0x41: {  	_ =	shalt  }
0x42: {  	_ =	shalt  }
0x43: {  	_ =	shalt  }
0x44: {  	_ =	shalt  }
0x45: {  	_ =	shalt  }
0x46: {  	_ =	shalt  }
0x47: {  	_ =	shalt  }
0x48: {  	_ =	shalt  }
0x49: {  	_ =	shalt  }
0x4a: {  	_ =	shalt  }
0x4b: {  	_ =	shalt  }
0x4c: {  	_ =	shalt  }
0x4d: {  	_ =	shalt  }
0x4e: {  	_ =	shalt  }
0x4f: {  	_ =	shalt  }
0x50: {  	_ =	shalt  }
0x51: {  	_ =	shalt  }
0x52: {  	_ =	shalt  }
0x53: {  	_ =	shalt  }
0x54: {  	_ =	shalt  }
0x55: {  	_ =	shalt  }
0x56: {  	_ =	shalt  }
0x57: {  	_ =	shalt  }
0x58: {  	_ =	shalt  }
0x59: {  	_ =	shalt  }
0x5a: {  	_ =	shalt  }
0x5b: {  	_ =	shalt  }
0x5c: {  	_ =	shalt  }
0x5d: {  	_ =	shalt  }
0x5e: {  	_ =	shalt  }
0x5f: {  	_ =	shalt  }
0x60: {  	_ =	shalt  }
0x61: {  	_ =	shalt  }
0x62: {  	_ =	shalt  }
0x63: {  	_ =	shalt  }
0x64: {  	_ =	shalt  }
0x65: {  	_ =	shalt  }
0x66: {  	_ =	shalt  }
0x67: {  	_ =	shalt  }
0x68: {  	_ =	shalt  }
0x69: {  	_ =	shalt  }
0x6a: {  	_ =	shalt  }
0x6b: {  	_ =	shalt  }
0x6c: {  	_ =	shalt  }
0x6d: {  	_ =	shalt  }
0x6e: {  	_ =	shalt  }
0x6f: {  	_ =	shalt  }
0x70: {  	_ =	shalt  }
0x71: {  	_ =	shalt  }
0x72: {  	_ =	shalt  }
0x73: {  	_ =	shalt  }
0x74: {  	_ =	shalt  }
0x75: {  	_ =	shalt  }
0x76: {  	_ =	shalt  }
0x77: {  	_ =	shalt  }
0x78: {  	_ =	shalt  }
0x79: {  	_ =	shalt  }
0x7a: {  	_ =	shalt  }
0x7b: {  	_ =	shalt  }
0x7c: {  	_ =	shalt  }
0x7d: {  	_ =	shalt  }
0x7e: {  	_ =	shalt  }
0x7f: {  	_ =	shalt  }
0x80: {  	_ =	shalt  }
0x81: {  	_ =	shalt  }
0x82: {  	_ =	shalt  }
0x83: {  	_ =	shalt  }
0x84: {  	_ =	shalt  }
0x85: {  	_ =	shalt  }
0x86: {  	_ =	shalt  }
0x87: {  	_ =	shalt  }
.Lfunc_end0:
.L_simem_size_0:
called_computation_lowered:
.L_overlay_start_0:
0x88: {  	s2 =	sld [smem:$0x3FD9]  }
0x89: {  	s3 =	sld [smem:$0x3FFE];
	_ =	sdelay $0x1  }
0x8a: {  	s1 =	srdreg.scid  }
0x8b: {  	s0 =	sand.u32 $0x1, s1  }
0x8c: {  	s17 =	sshll.u32 s0, $0xA;
	s2 =	sadd.s32 s3, s2  }
0x8d: {  	s2 =	sadd.s32 s2, s17  }
0x8e: {  	[smem:$0x3FBE] =	sst s2  }
0x8f: {  	_ = 	snop  }
0x90: {  	s18 =	sld [smem:$0x3FD0];
	(tm) =	ssettm $0x1  }
0x91: {  	s19 =	sld [smem:$0x3FFB];
	_ =	sdelay $0x3  }
0x92: {  	_ =	strace s19  }
0x93: {  	s2 =	sld [smem:$0x3FFC];
	_ =	sdelay $0x3  }
0x94: {  	_ =	strace s2  }
0x95: {  	s2 =	sld [smem:$0x3FFD];
	_ =	sdelay $0x3  }
0x96: {  	_ =	strace s2  }
0x97: {  	_ =	strace $0x8FFFFFFF  }
0x98: {  	s20 =	sld [smem:$0x3FDB];
	_ =	sdelay $0x1  }
0x99: {  	s4 =	simm.s32 $_scs_section_size  }
0x9a: {  	s5 =	simm.s32 $_size__tile_overlayer_lowered;
	s6 =	simm.s32 $_tile_overlayer_lowered  }
0x9b: {  	s7 =	simm.s32 $0x1BFF;
	s21 =	sshll.u32 s6, $0x1;
	s4 =	sadd.s32 s4, s20  }
0x9c: {  	s22 =	simm.s32 $0x0;
	s5 =	sshll.u32 s5, $0x1;
	s6 =	sadd.s32 s21, s4  }
0x9d: {  	[timem:s22], [sflag:s7] =	dma.local [hbm:s6], s5  }
0x9e: {  	_ =	swait.ge [sflag:s7], s5  }
0x9f: {  	s5 =	ssub.s32 $0x0, s5;
	[sflag:s7] =	ssyncset.done $0x0  }
0xa0: {  	[sflag:s7] =	ssyncadd.s32 s5;
	_ =	sdelay $0x1  }
0xa1: {  	s23 =	simm.s32 $0x1B8B  }
0xa2: {  	_ =	swait.ge [sflag:s23], $0x1  }
0xa3: {  	[sflag:s23] =	ssyncset.done $0x0  }
0xa4: {  	[sflag:s23] =	ssyncadd.s32 $0xFFFFFFFF  }
0xa5: {  	s5 =	sld [smem:$0x0]  }
0xa6: {  	s6 =	sand.u32 $0xFFFFFFFE, s1  }
0xa7: {  	p0 =	sne.s32 s1, s6  }
0xa8: {  	s6 =	sshll.u32 @p0 s6, $0xE  }
0xa9: {  	s6 =	sadd.s32 @p0 $0x11B8D, s6;
	s7 =	sshll.u32 @p0 s5, $0x11  }
0xaa: {  	s6 =	sor.u32 @p0 s7, s6  }
0xab: {  	[sflag:s6] =	ssyncadd.remote.s32 @p0 $0x1;
	_ =	sdelay $0x1  }
0xac: {  	s6 =	simm.s32 @p0 $0x1B8D  }
0xad: {  	_ =	swait.eq @p0 [sflag:s6], $0x1  }
0xae: {  	[sflag:s6] =	ssyncadd.s32 @p0 $0xFFFFFFFF  }
0xaf: {  	s7 =	sshll.u32 @!p0 s1, $0xE  }
0xb0: {  	s7 =	sor.u32 @!p0 $0x4000, s7;
	s6 =	simm.s32 @!p0 $0x1B8D  }
0xb1: {  	s5 =	sshll.u32 @!p0 s5, $0x11;
	s7 =	sadd.s32 @!p0 $0x11B8D, s7;
	_ =	swait.eq @!p0 [sflag:s6], $0x1  }
0xb2: {  	s5 =	sor.u32 @!p0 s5, s7;
	[sflag:s6] =	ssyncadd.s32 @!p0 $0xFFFFFFFF  }
0xb3: {  	s25 =	simm.s32 $0x1B8E;
	s24 =	sld [smem:$0x3FFE];
	[sflag:s5] =	ssyncadd.remote.s32 @!p0 $0x1  }
0xb4: {  	s26 =	simm.s32 $execute0_lowered;
	[smem:$0x3FD2] =	sst s25  }
0xb5: {  	s6 =	sshll.u32 s26, $0x1;
	_ =	strace $0x80000049;
	[dreg:$0x1] =	wrdreg $0xFFFFFFFF  }
0xb6: {  	s28 =	simm.s32 $_size_execute0_lowered;
	s4 =	sadd.s32 s4, s6;
	[dreg:$0x0] =	wrdreg $0x0  }
0xb7: {  	s6 =	sshll.u32 s28, $0x1;
	[dreg:$0x2] =	wrdreg s4  }
0xb8: {  	[dreg:$0x3] =	wrdreg s6  }
0xb9: {  	[dreg:$0x4] =	wrdreg $0xC0  }
0xba: {  	_ =	task [dreg:s22], $0x5FFFF  }
0xbb: {  	[dreg:$0x1] =	wrdreg $0xFFFFFFFF  }
0xbc: {  	[dreg:$0x0] =	wrdreg $0x60  }
0xbd: {  	[dreg:$0x2] =	wrdreg s18  }
0xbe: {  	[dreg:$0x3] =	wrdreg s24  }
0xbf: {  	[dreg:$0x4] =	wrdreg $0x90000  }
0xc0: {  	[dreg:$0x5] =	wrdreg $0x9  }
0xc1: {  	_ =	task.clear_ibuf [dreg:s22], $0x6FFFF;
	_ =	strace $0x90000049  }
0xc2: {  	s29 =	simm.s32 $0x9;
	_ =	strace $0x8000004B  }
0xc3: {  	_ =	swait.ge [sflag:s29], $0x1  }
0xc4: {  	[sflag:s29] =	ssyncadd.s32 $0xFFFFFFFF  }
0xc5: {  	_ =	strace $0x9000004B  }
0xc6: {  	_ =	sfence  }
0xc7: {  	s30 =	sld [smem:$0x0];
	_ =	sdelay $0x2  }
0xc8: {  	s31 =	sshll.u32 s1, $0xD;
	s1 =	sshrl.u32 s1, $0x2  }
0xc9: {  	s4 =	sand.u32 $0x4000, s31;
	s1 =	sadd.s32 s1, s30  }
0xca: {  	s0 =	sor.u32 s4, s0;
	s1 =	sshll.u32 s1, $0x11  }
0xcb: {  	s0 =	sor.u32 s1, s0  }
0xcc: {  	s0 =	sadd.s32 $0x8F2B, s0  }
0xcd: {  	[sflag:s0] =	ssyncadd.remote.s32 $0x1  }
0xce: {  	_ =	sfence.sel $0xFFFF  }
0xcf: {  	[dreg:$0x0] =	wrdreg $0xFFFFFFFF;
	(pc) =	sbr.abs _section_cstart, $3  }
0xd0: {  	[dreg:$0x1] =	wrdreg $0xFFFFFFFF  }
0xd1: {  	_ =	task.clear_ibuf [dreg:s22], $0x2FFFF;
	_ =	strace $0x9FFFFFFF  }
0xd2: {  	(tm) =	ssettm $0x7FFFFFFF  }
0xd3: {  	_ =	shalt  }
tec
execute0_lowered:
.L_overlay_start_1:
0x0: {  	(tag) =	ssettag $0x1  }
0x1: {  	s1 =	rddreg [dreg:$0x0]  }
0x2: {  	s2 =	srdreg.scid;
	s7 =	rddreg [dreg:$0x1]  }
0x3: {  	s0 =	stileid.u32;
	s3 =	rddreg [dreg:$0x2]  }
0x4: {  	s4 =	simm.s32 $0x0;
	s13 =	simm.s32 $0x2800;
	s14 =	simm.s32 $0x80  }
0x5: {  	s15 =	simm.s32 $0x5000;
	s16 =	simm.s32 $0x1;
	s17 =	simm.s32 $0x0  }
0x6: {  	s6 =	sand.u32 $0x1, s2;
	s26 =	sshll.u32 s0, $0x1;
	s8 =	smul.u32 $0x2800, s0  }
0x7: {  	[smem:$0x7FF] =	sst s4;
	s11 =	smul.u32 $0x50000, s0;
	s31 =	sshll.u32 s0, $0x6  }
0x8: {  	s2 =	sor.u32 s6, s26;
	s9 =	smul.u32 $0x28000, s6;
	s6 =	ssub.s32 $0x2, s6  }
0x9: {  	s5 =	smul.u32 $0x500, s2;
	s2 =	rddreg [dreg:$0x3];
	_ =	strace $0x8000004A  }
0xa: {  	s28 =	sshrl.u32 s6, $0x1;
	s29 =	sshrl.u32 s11, $0x2;
	s8 =	sadd.s32 s8, s9  }
0xb: {  	s30 =	ssub.s32 s6, s28;
	s12 =	sadd.s32 s29, s3;
	s6 =	sor.u32 $0x1C02, s31  }
0xc: {  	s10 =	sadd.s32 s5, s7;
	s5 =	sadd.s32 $0x15E00, s7;
	s9 =	sadd.s32 s8, s7  }
0xd: {  	s11 =	sshrl.u32 s12, $0x3;
	s12 =	simm.s32 $0x2;
	s7 =	sadd.s32 $0x68600, s10  }
0xe: {  	s8 =	sadd.s32 $0x1E00, s10;
	s9 =	sadd.s32 $0x72600, s9;
	s10 =	smax.u32 s30, $0x1  }
.LBB2_1:
0xf: {  	[spmem:s11], [sflag:s6] =	dma.local [hbm:s5], $0x2800  }
0x10: {  	_ =	swait.ge [sflag:s12], $0x2800  }
0x11: {  	[sflag:s12] =	ssyncset.done $0x0  }
0x12: {  	[sflag:s12] =	ssyncadd.s32 $0xFFFFD800  }
0x13: {  	[tilespmem:s4], [sflag:$0x2] =	stream.linear.gather [hbm4b:s7+s4], $0x2800, $0x38;
	[tilespmem:$0x1D000] =	vst v63  }
0x14: {  	_ =	swait.ge [sflag:s12], $0x2800  }
0x15: {  	[sflag:s12] =	ssyncset.done $0x0  }
0x16: {  	[sflag:s12] =	ssyncadd.s32 $0xFFFFD800  }
0x17: {  	[tilespmem:s13], [sflag:$0x2] =	stream.linear.gather [hbm4b:s8+s4], $0x2800, $0x38;
	[tilespmem:$0x1D000] =	vst v63  }
0x18: {  	_ =	swait.ge [sflag:s12], $0x2800  }
0x19: {  	[sflag:s12] =	ssyncset.done $0x0  }
0x1a: {  	[sflag:s12] =	ssyncadd.s32 $0xFFFFD800  }
0x1b: {  	s18 =	simm.s32 $0x0;
	[bflag:$0x0] =	sbarrier.arrive $0xFFFF  }
0x1c: {  	[tilespmem:s15], [sflag:$0x1] =	stream.indirect.gather [hbm4b:s1+s14], $0x80, s18, s14, $0xb8;
	[tilespmem:$0x1D000] =	vst v63  }
0x1d: {  	_ =	swait.ge [sflag:s16], $0x4000  }
0x1e: {  	[sflag:s16] =	ssyncset.done $0x0  }
0x1f: {  	s31 =	simm.s32 $0x2800;
	[sflag:s16] =	ssyncadd.s32 $0xFFFFC000  }
0x20: {  	[spmem:s3] =	stream.indirect.scatter.add.f32 [tilespmem:s15], [sflag:$0x2], $0x80, s31, s14, $0xb8;
	[tilespmem:$0x1D000] =	vst v63  }
0x21: {  	_ =	swait.ge [sflag:s12], $0x4000  }
0x22: {  	s19 =	simm.s32 $0x400;
	s18 =	simm.s32 $0x200;
	[sflag:s12] =	ssyncset.done $0x0  }
.LBB2_2:
0x23: {  	s20 =	sshra.s32 s18, $0x2  }
0x24: {  	[sflag:s12] =	ssyncadd.s32 $0xFFFFC000;
	s18 =	smov.u32 s19;
	s21 =	sadd.s32 $0x200, s19  }
0x25: {  	[tilespmem:s15], [sflag:$0x1] =	stream.indirect.gather [hbm4b:s1+s14], $0x80, s20, s14, $0xb8;
	[tilespmem:$0x1D000] =	vst v63  }
0x26: {  	p0 =	sne.s32 s19, $0x9E00;
	_ =	swait.ge [sflag:s16], $0x4000  }
.Ltmp0:
0x27: {  	[sflag:s16] =	ssyncset.done $0x0;
	(pc) =	sbr.rel @p0 .LBB2_2-.Ltmp0, $4  }
0x28: {  	s19 =	sadd.s32 $0x2800, s20;
	[sflag:s16] =	ssyncadd.s32 $0xFFFFC000  }
0x29: {  	[spmem:s3] =	stream.indirect.scatter.add.f32 [tilespmem:s15], [sflag:$0x2], $0x80, s19, s14, $0xb8;
	[tilespmem:$0x1D000] =	vst v63  }
0x2a: {  	_ =	swait.ge [sflag:s12], $0x4000  }
0x2b: {  	s19 =	smov.u32 s21;
	[sflag:s12] =	ssyncset.done $0x0  }
0x2c: {  	s18 =	sshra.s32 s18, $0x2;
	[sflag:s12] =	ssyncadd.s32 $0xFFFFC000  }
0x2d: {  	[tilespmem:s15], [sflag:$0x1] =	stream.indirect.gather [hbm4b:s1+s14], $0x80, s18, s14, $0xb8;
	[tilespmem:$0x1D000] =	vst v63  }
0x2e: {  	_ =	swait.ge [sflag:s16], $0x4000  }
0x2f: {  	[sflag:s16] =	ssyncset.done $0x0  }
0x30: {  	s18 =	sadd.s32 $0x2800, s18;
	[sflag:s16] =	ssyncadd.s32 $0xFFFFC000  }
0x31: {  	[spmem:s3] =	stream.indirect.scatter.add.f32 [tilespmem:s15], [sflag:$0x2], $0x80, s18, s14, $0xb8;
	[tilespmem:$0x1D000] =	vst v63  }
0x32: {  	_ =	swait.ge [sflag:s12], $0x4000  }
0x33: {  	s17 =	sadd.s32 $0x1, s17;
	[sflag:s12] =	ssyncset.done $0x0  }
0x34: {  	p0 =	sne.s32 s17, s10;
	[sflag:s12] =	ssyncadd.s32 $0xFFFFC000  }
.Ltmp1:
0x35: {  	[bflag:$0x0] =	sbarrier.arrive $0xFFFF;
	(pc) =	sbr.rel @p0 .LBB2_1-.Ltmp1, $4  }
0x36: {  	[hbm:s9], [sflag:s6] =	dma.local [spmem:s11], $0x2800  }
0x37: {  	_ =	swait.ge [sflag:s12], $0x2800  }
0x38: {  	[sflag:s12] =	ssyncset.done $0x0  }
0x39: {  	[sflag:s12] =	ssyncadd.s32 $0xFFFFD800  }
0x3a: {  	_ =	sfence.sel $0x180000  }
0x3b: {  	[bflag:$0x0] =	sbarrier.arrive $0xFFFF  }
0x3c: {  	p0 =	sne.s32 s0, $0x0;
	_ =	strace $0x9000004A  }
0x3d: {  	s0 =	sadd.s32 @!p0 $0x100000, s2;
	[bflag:$0x2] =	sbarrier.arrive $0xFFFF  }
0x3e: {  	[sflag:s0] =	ssyncadd.tile.s32 @!p0 $0x1;
	_ =	shalt  }
.Lfunc_end2:
_tile_overlayer_lowered:
.L_overlay_start_2:
0x3f: {  	(tag) =	ssettag $0x2  }
0x40: {  	s0 =	rddreg [dreg:$0x0];
	s2 =	stileid.u32  }
0x41: {  	s1 =	rddreg [dreg:$0x1];
	p0 =	sne.s32 s2, $0x0  }
0x42: {  	s3 =	rddreg [dreg:$0x2];
	[bflag:$0x3] =	sbarrier.arrive $0xFFFF;
	s2 =	simm.s32 @!p0 $0x1C02  }
0x43: {  	[timem:s3], [sflag:s2] =	dma.local @!p0 [hbm:s0], s1  }
0x44: {  	s0 =	simm.s32 @!p0 $0x2  }
0x45: {  	_ =	swait.ge @!p0 [sflag:s0], s1  }
0x46: {  	s1 =	ssub.s32 @!p0 $0x0, s1;
	[sflag:s0] =	ssyncset.done @!p0 $0x0  }
0x47: {  	[sflag:s0] =	ssyncadd.s32 @!p0 s1  }
0x48: {  	[bflag:$0x3] =	sbarrier.arrive $0xFFFF  }
0x49: {  	_ =	shalt  }

</sc_bundles>
